<compile_context>
chip_gen: v7x
topology: tpu7x:2x2x1
jax: 0.10.2.dev20260603
libtpu: 0.0.44.dev20260713+nightly
codegen_flags: <defaults>
</compile_context>

<pallas_src>
import jax
import jax.numpy as jnp
from jax import lax
from jax.experimental import pallas as pl
from jax.experimental.pallas import tpu as pltpu
from jax.experimental.pallas import tpu_sc as plsc

N_TOKENS = 32768
D_MODEL = 768
ENC_DIM = 192
N_EXPERTS = 8
LN_EPS = 1e-5

BLK = 2048

_NC = 2
_NS = 16
_NW = _NC * _NS
_TPW = N_TOKENS // _NW
_GRP = _TPW // 16


def _tc_body(hsa_ref, hsb_ref, wproj_ref, bproj_ref,
             gamma_ref, beta_ref, wgt_ref, out_t_ref, tbl_ref):
    wg = wgt_ref[...].T
    wgh = wg[:D_MODEL, :]
    wge = wg[D_MODEL:, :]

    a = wproj_ref[...]
    b = bproj_ref[...]
    g = gamma_ref[...]
    bet = beta_ref[...]
    sel = (lax.broadcasted_iota(jnp.int32, (8, 1), 0) == 1)
    enc = jnp.where(sel, a + b, b * jnp.ones((8, 1), jnp.float32))
    mu = jnp.mean(enc, axis=-1, keepdims=True)
    var = jnp.mean((enc - mu) ** 2, axis=-1, keepdims=True)
    enc = (enc - mu) / jnp.sqrt(var + LN_EPS) * g + bet
    tbl8 = jnp.dot(enc, wge, preferred_element_type=jnp.float32)
    tbl_ref[...] = jnp.concatenate([tbl8[0:1, :], tbl8[1:2, :]], axis=1)

    for k, ref in enumerate((hsa_ref, hsb_ref)):
        lk = jnp.dot(ref[...], wgh, preferred_element_type=jnp.float32)
        out_t_ref[:, k * BLK:(k + 1) * BLK] = lk.T


def _tc_logits_t(hs, w_proj, b_proj, gamma, beta, w_gate):
    grid = N_TOKENS // (2 * BLK)
    return pl.pallas_call(
        _tc_body,
        grid=(grid,),
        in_specs=[
            pl.BlockSpec((BLK, D_MODEL), lambda i: (2 * i, 0)),
            pl.BlockSpec((BLK, D_MODEL), lambda i: (2 * i + 1, 0)),
            pl.BlockSpec((1, ENC_DIM), lambda i: (0, 0)),
            pl.BlockSpec((1, ENC_DIM), lambda i: (0, 0)),
            pl.BlockSpec((1, ENC_DIM), lambda i: (0, 0)),
            pl.BlockSpec((1, ENC_DIM), lambda i: (0, 0)),
            pl.BlockSpec((N_EXPERTS, D_MODEL + ENC_DIM), lambda i: (0, 0)),
        ],
        out_specs=[
            pl.BlockSpec((N_EXPERTS, 2 * BLK), lambda i: (0, i)),
            pl.BlockSpec((1, 16), lambda i: (0, 0)),
        ],
        out_shape=[
            jax.ShapeDtypeStruct((N_EXPERTS, N_TOKENS), jnp.float32),
            jax.ShapeDtypeStruct((1, 16), jnp.float32),
        ],
        compiler_params=pltpu.CompilerParams(
            dimension_semantics=("arbitrary",),
        ),
    )(hs, hs, w_proj, b_proj, gamma, beta, w_gate.T)


def _sc_topk_body(lt_hbm, ea_hbm, tbl_hbm, lo_hbm, i2_hbm, w2_hbm,
                  col_v, ea_v, tbl_v, lo_v, i2_v, w2_v, sem, sem2):
    wid = lax.axis_index("s") * _NC + lax.axis_index("c")
    base = wid * _TPW
    half = _TPW // 2
    cin0 = pltpu.async_copy(lt_hbm.at[:, pl.ds(base, half)],
                            col_v.at[:, pl.ds(0, half)], sem)
    cea = pltpu.async_copy(ea_hbm.at[pl.ds(base, _TPW)], ea_v, sem)
    ctb = pltpu.async_copy(tbl_hbm, tbl_v, sem)
    cin1 = pltpu.async_copy(lt_hbm.at[:, pl.ds(base + half, half)],
                            col_v.at[:, pl.ds(half, half)], sem2)
    cin0.wait()
    cea.wait()
    ctb.wait()

    tv = tbl_v[0, pl.ds(0, 16)]
    t0 = [tv[e] for e in range(N_EXPERTS)]
    dt = [tv[8 + e] - tv[e] for e in range(N_EXPERTS)]

    def group(g, _):
        off = g * 16
        ea = ea_v[pl.ds(off, 16)]
        cols = []
        for e in range(N_EXPERTS):
            c = col_v[e, pl.ds(off, 16)] + (jnp.full((16,), t0[e], jnp.float32)
                                            + ea * dt[e])
            lo_v[e, pl.ds(off, 16)] = c
            cols.append(c)
        m1 = cols[0]
        i1 = jnp.zeros((16,), jnp.int32)
        m2 = jnp.full((16,), -jnp.inf, jnp.float32)
        i2 = jnp.zeros((16,), jnp.int32)
        for e in range(1, N_EXPERTS):
            v = cols[e]
            ev = jnp.full((16,), e, jnp.int32)
            gt1 = v > m1
            gt2 = v > m2
            m2n = jnp.where(gt1, m1, jnp.where(gt2, v, m2))
            i2n = jnp.where(gt1, i1, jnp.where(gt2, ev, i2))
            m1 = jnp.where(gt1, v, m1)
            i1 = jnp.where(gt1, ev, i1)
            m2, i2 = m2n, i2n
        t = jnp.exp(m2 - m1)
        s = 1.0 + t
        i2_v[0, pl.ds(off, 16)] = i1
        i2_v[1, pl.ds(off, 16)] = i2
        w2_v[0, pl.ds(off, 16)] = 1.0 / s
        w2_v[1, pl.ds(off, 16)] = t / s
        return 0

    lax.fori_loop(0, _GRP // 2, group, 0)
    cin1.wait()
    lax.fori_loop(_GRP // 2, _GRP, group, 0)

    c1 = pltpu.async_copy(lo_v, lo_hbm.at[:, pl.ds(base, _TPW)], sem)
    c2 = pltpu.async_copy(i2_v, i2_hbm.at[:, pl.ds(base, _TPW)], sem)
    c3 = pltpu.async_copy(w2_v, w2_hbm.at[:, pl.ds(base, _TPW)], sem)
    c1.wait()
    c2.wait()
    c3.wait()


def _sc_topk(logits_t, ea_flat, tbl):
    mesh = plsc.VectorSubcoreMesh(core_axis_name="c", subcore_axis_name="s")
    f = pl.kernel(
        _sc_topk_body,
        mesh=mesh,
        out_type=[
            jax.ShapeDtypeStruct((N_EXPERTS, N_TOKENS), jnp.float32),
            jax.ShapeDtypeStruct((2, N_TOKENS), jnp.int32),
            jax.ShapeDtypeStruct((2, N_TOKENS), jnp.float32),
        ],
        scratch_types=[
            pltpu.VMEM((N_EXPERTS, _TPW), jnp.float32),
            pltpu.VMEM((_TPW,), jnp.float32),
            pltpu.VMEM((1, 16), jnp.float32),
            pltpu.VMEM((N_EXPERTS, _TPW), jnp.float32),
            pltpu.VMEM((2, _TPW), jnp.int32),
            pltpu.VMEM((2, _TPW), jnp.float32),
            pltpu.SemaphoreType.DMA,
            pltpu.SemaphoreType.DMA,
        ],
    )
    return f(logits_t, ea_flat, tbl)


def kernel(hidden_states, encoder_available, W_proj, b_proj, gamma, beta, W_gate):
    hs = hidden_states.astype(jnp.float32)
    ea_flat = encoder_available.astype(jnp.float32).reshape(N_TOKENS)
    lt_h, tbl = _tc_logits_t(hs,
                             W_proj.reshape(1, ENC_DIM),
                             b_proj.reshape(1, ENC_DIM),
                             gamma.reshape(1, ENC_DIM),
                             beta.reshape(1, ENC_DIM),
                             W_gate)
    lt, idx2, w2 = _sc_topk(lt_h, ea_flat, tbl)
    return (idx2.T, w2.T, lt.T)

# --- scband reference (transcript-rebuilt; emitter-appended) ---
"""Pipeline reference for scband-router-84868553769328 (READ-ONLY COPY).

The authoritative reference and input builder live on the scoring server;
editing this copy changes nothing except your own understanding.
"""

import jax, jax.numpy as jnp
import numpy as np

N_TOKENS = 32768
D_MODEL = 768
ENC_DIM = D_MODEL // 4  # 192
N_EXPERTS = 8
TOP_K = 2
LN_EPS = 1e-5


def setup_inputs(seed: int = 0) -> dict:
    key = jax.random.key(seed)
    ks = jax.random.split(key, 8)
    hidden_states = jax.random.normal(ks[0], (N_TOKENS, D_MODEL), dtype=jnp.float32)
    encoder_available = (jax.random.uniform(ks[1], (N_TOKENS, 1)) < 0.5).astype(jnp.float32)
    # enc_signal_proj: Linear(1, ENC_DIM) -> weight stored as (in=1, out=ENC_DIM)
    W_proj = jax.random.normal(ks[2], (1, ENC_DIM), dtype=jnp.float32) * (1.0 / np.sqrt(1.0))
    b_proj = jax.random.normal(ks[3], (ENC_DIM,), dtype=jnp.float32) * 0.01
    # LayerNorm params
    gamma = jnp.ones((ENC_DIM,), dtype=jnp.float32)
    beta = jnp.zeros((ENC_DIM,), dtype=jnp.float32)
    # gate: Linear(D_MODEL + ENC_DIM, N_EXPERTS, bias=False) -> stored (in, out)
    W_gate = jax.random.normal(ks[4], (D_MODEL + ENC_DIM, N_EXPERTS), dtype=jnp.float32) * (1.0 / np.sqrt(D_MODEL + ENC_DIM))
    return {
        "hidden_states": hidden_states,
        "encoder_available": encoder_available,
        "W_proj": W_proj,
        "b_proj": b_proj,
        "gamma": gamma,
        "beta": beta,
        "W_gate": W_gate,
    }


def reference(hidden_states, encoder_available, W_proj, b_proj, gamma, beta, W_gate):
    # enc_signal = LayerNorm(Linear(encoder_available))
    enc = encoder_available.astype(jnp.float32) @ W_proj + b_proj
    mu = jnp.mean(enc, axis=-1, keepdims=True)
    var = jnp.mean((enc - mu) ** 2, axis=-1, keepdims=True)
    enc = (enc - mu) / jnp.sqrt(var + LN_EPS) * gamma + beta
    # gate_input = cat([hidden_states.float(), enc_signal], dim=-1)
    gate_input = jnp.concatenate([hidden_states.astype(jnp.float32), enc], axis=-1)
    router_logits = gate_input @ W_gate
    topk_vals, topk_indices = jax.lax.top_k(router_logits, TOP_K)
    topk_weights = jax.nn.softmax(topk_vals.astype(jnp.float32), axis=-1)
    return (topk_indices, topk_weights, router_logits)

if __name__ == "__main__":
    import jax
    _d = setup_inputs()
    print(jax.jit(kernel)(*tuple(_d.values())))

</pallas_src>

<mosaic_0001>
#map = affine_map<(d0, d1) -> (0, 0)>
#map1 = affine_map<(d0, d1) -> (0)>
module attributes {stable_mosaic.version = 14 : i64} {
  func.func @_sc_topk_body(%arg0: i32, %arg1: i32, %arg2: memref<8x32768xf32, #tpu.memory_space<hbm>>, %arg3: memref<32768xf32, #tpu.memory_space<hbm>>, %arg4: memref<1x16xf32, #tpu.memory_space<hbm>>, %arg5: memref<8x32768xf32, #tpu.memory_space<hbm>>, %arg6: memref<2x32768xi32, #tpu.memory_space<hbm>>, %arg7: memref<2x32768xf32, #tpu.memory_space<hbm>>, %arg8: memref<8x1024xf32, #tpu.memory_space<vmem>>, %arg9: memref<1024xf32, #tpu.memory_space<vmem>>, %arg10: memref<1x16xf32, #tpu.memory_space<vmem>>, %arg11: memref<8x1024xf32, #tpu.memory_space<vmem>>, %arg12: memref<2x1024xi32, #tpu.memory_space<vmem>>, %arg13: memref<2x1024xf32, #tpu.memory_space<vmem>>, %arg14: memref<!tpu.dma_semaphore, #tpu.memory_space<semaphore_mem>>, %arg15: memref<!tpu.dma_semaphore, #tpu.memory_space<semaphore_mem>>) attributes {dimension_semantics = [#tpu.dimension_semantics<core_parallel>, #tpu.dimension_semantics<subcore_parallel>], iteration_bounds = array<i64: 2, 16>, scalar_prefetch = 0 : i64, scratch_operands = 8 : i64, tpu.core_type = #tpu.core_type<sc_vector_subcore>, window_params = [{transform_indices = #map}, {transform_indices = #map1}, {transform_indices = #map}, {transform_indices = #map}, {transform_indices = #map}, {transform_indices = #map}]} {
    %mul3A = arith.constant 2 : i32
    %mul3A_0 = arith.muli %arg1, %mul3A : i32
    %add3A = arith.addi %mul3A_0, %arg0 : i32
    %mul3A_1 = arith.constant 1024 : i32
    %mul3A_2 = arith.muli %add3A, %mul3A_1 : i32
    %dma_start3A = arith.constant 0 : i32
    %dma_start3A_3 = arith.constant 0 : i32
    %dma_start3A_4 = tpu.memref_slice %arg8[%dma_start3A, %dma_start3A_3] : memref<8x1024xf32, #tpu.memory_space<vmem>> -> memref<8x512xf32, #tpu.memory_space<vmem>>
    %dma_start3A_5 = arith.constant 0 : i32
    %dma_start3A_6 = tpu.memref_slice %arg2[%dma_start3A_5, %mul3A_2] : memref<8x32768xf32, #tpu.memory_space<hbm>> -> memref<8x512xf32, #tpu.memory_space<hbm>>
    %dma_start3A_7 = arith.constant 0 : i32
    %dma_start3A_8 = arith.constant 0 : i32
    %dma_start3A_9 = tpu.memref_slice %arg8[%dma_start3A_7, %dma_start3A_8] : memref<8x1024xf32, #tpu.memory_space<vmem>> -> memref<8x512xf32, #tpu.memory_space<vmem>>
    %dma_start3A_10 = arith.constant 0 : i32
    %dma_start3A_11 = tpu.memref_slice %arg2[%dma_start3A_10, %mul3A_2] : memref<8x32768xf32, #tpu.memory_space<hbm>> -> memref<8x512xf32, #tpu.memory_space<hbm>>
    tpu.enqueue_dma source(%dma_start3A_11 : memref<8x512xf32, #tpu.memory_space<hbm>>) target(%dma_start3A_9 : memref<8x512xf32, #tpu.memory_space<vmem>>) target_semaphore(%arg14 : memref<!tpu.dma_semaphore, #tpu.memory_space<semaphore_mem>>)
    %dma_start3A_12 = tpu.memref_slice %arg3[%mul3A_2] : memref<32768xf32, #tpu.memory_space<hbm>> -> memref<1024xf32, #tpu.memory_space<hbm>>
    %dma_start3A_13 = tpu.memref_slice %arg3[%mul3A_2] : memref<32768xf32, #tpu.memory_space<hbm>> -> memref<1024xf32, #tpu.memory_space<hbm>>
    tpu.enqueue_dma source(%dma_start3A_13 : memref<1024xf32, #tpu.memory_space<hbm>>) target(%arg9 : memref<1024xf32, #tpu.memory_space<vmem>>) target_semaphore(%arg14 : memref<!tpu.dma_semaphore, #tpu.memory_space<semaphore_mem>>)
    tpu.enqueue_dma source(%arg4 : memref<1x16xf32, #tpu.memory_space<hbm>>) target(%arg10 : memref<1x16xf32, #tpu.memory_space<vmem>>) target_semaphore(%arg14 : memref<!tpu.dma_semaphore, #tpu.memory_space<semaphore_mem>>)
    %add3A_14 = arith.constant 512 : i32
    %add3A_15 = arith.addi %mul3A_2, %add3A_14 : i32
    %dma_start3A_16 = arith.constant 0 : i32
    %dma_start3A_17 = arith.constant 512 : i32
    %dma_start3A_18 = tpu.memref_slice %arg8[%dma_start3A_16, %dma_start3A_17] : memref<8x1024xf32, #tpu.memory_space<vmem>> -> memref<8x512xf32, #tpu.memory_space<vmem>>
    %dma_start3A_19 = arith.constant 0 : i32
    %dma_start3A_20 = tpu.memref_slice %arg2[%dma_start3A_19, %add3A_15] : memref<8x32768xf32, #tpu.memory_space<hbm>> -> memref<8x512xf32, #tpu.memory_space<hbm>>
    %dma_start3A_21 = arith.constant 0 : i32
    %dma_start3A_22 = arith.constant 512 : i32
    %dma_start3A_23 = tpu.memref_slice %arg8[%dma_start3A_21, %dma_start3A_22] : memref<8x1024xf32, #tpu.memory_space<vmem>> -> memref<8x512xf32, #tpu.memory_space<vmem>>
    %dma_start3A_24 = arith.constant 0 : i32
    %dma_start3A_25 = tpu.memref_slice %arg2[%dma_start3A_24, %add3A_15] : memref<8x32768xf32, #tpu.memory_space<hbm>> -> memref<8x512xf32, #tpu.memory_space<hbm>>
    tpu.enqueue_dma source(%dma_start3A_25 : memref<8x512xf32, #tpu.memory_space<hbm>>) target(%dma_start3A_23 : memref<8x512xf32, #tpu.memory_space<vmem>>) target_semaphore(%arg15 : memref<!tpu.dma_semaphore, #tpu.memory_space<semaphore_mem>>)
    %dma_wait3A = arith.constant 0 : i32
    %dma_wait3A_26 = arith.constant 0 : i32
    %dma_wait3A_27 = tpu.memref_slice %arg8[%dma_wait3A, %dma_wait3A_26] : memref<8x1024xf32, #tpu.memory_space<vmem>> -> memref<8x512xf32, #tpu.memory_space<vmem>>
    %dma_wait3A_28 = arith.constant 0 : i32
    %dma_wait3A_29 = tpu.memref_slice %arg2[%dma_wait3A_28, %mul3A_2] : memref<8x32768xf32, #tpu.memory_space<hbm>> -> memref<8x512xf32, #tpu.memory_space<hbm>>
    %dma_wait3A_30 = arith.constant 0 : i32
    %dma_wait3A_31 = arith.constant 0 : i32
    %dma_wait3A_32 = tpu.memref_slice %arg8[%dma_wait3A_30, %dma_wait3A_31] : memref<8x1024xf32, #tpu.memory_space<vmem>> -> memref<8x512xf32, #tpu.memory_space<vmem>>
    %dma_wait3A_33 = arith.constant 0 : i32
    %dma_wait3A_34 = tpu.memref_slice %arg2[%dma_wait3A_33, %mul3A_2] : memref<8x32768xf32, #tpu.memory_space<hbm>> -> memref<8x512xf32, #tpu.memory_space<hbm>>
    tpu.wait_dma2 semaphore(%arg14 : memref<!tpu.dma_semaphore, #tpu.memory_space<semaphore_mem>>) src(%dma_wait3A_34 : memref<8x512xf32, #tpu.memory_space<hbm>>) dst(%dma_wait3A_32 : memref<8x512xf32, #tpu.memory_space<vmem>>)
    %dma_wait3A_35 = tpu.memref_slice %arg3[%mul3A_2] : memref<32768xf32, #tpu.memory_space<hbm>> -> memref<1024xf32, #tpu.memory_space<hbm>>
    %dma_wait3A_36 = tpu.memref_slice %arg3[%mul3A_2] : memref<32768xf32, #tpu.memory_space<hbm>> -> memref<1024xf32, #tpu.memory_space<hbm>>
    tpu.wait_dma2 semaphore(%arg14 : memref<!tpu.dma_semaphore, #tpu.memory_space<semaphore_mem>>) src(%dma_wait3A_36 : memref<1024xf32, #tpu.memory_space<hbm>>) dst(%arg9 : memref<1024xf32, #tpu.memory_space<vmem>>)
    tpu.wait_dma2 semaphore(%arg14 : memref<!tpu.dma_semaphore, #tpu.memory_space<semaphore_mem>>) src(%arg4 : memref<1x16xf32, #tpu.memory_space<hbm>>) dst(%arg10 : memref<1x16xf32, #tpu.memory_space<vmem>>)
    %get3A = arith.constant 0 : i32
    %get3A_37 = arith.index_cast %get3A : i32 to index
    %get3A_38 = arith.constant 0 : index
    %get3A_39 = tpu.vector_load %arg10[%get3A_37, %get3A_38] {strides = array<i32>} : memref<1x16xf32, #tpu.memory_space<vmem>>, vector<1x16xf32>,
    %get3A_40 = vector.shape_cast %get3A_39 : vector<1x16xf32> to vector<16xf32>
    %slice3A = vector.extract_strided_slice %get3A_40 {offsets = [0], sizes = [1], strides = [1]} : vector<16xf32> to vector<1xf32>
    %squeeze3A = vector.extract %slice3A[0] : f32 from vector<1xf32>
    %slice3A_41 = vector.extract_strided_slice %get3A_40 {offsets = [1], sizes = [1], strides = [1]} : vector<16xf32> to vector<1xf32>
    %squeeze3A_42 = vector.extract %slice3A_41[0] : f32 from vector<1xf32>
    %slice3A_43 = vector.extract_strided_slice %get3A_40 {offsets = [2], sizes = [1], strides = [1]} : vector<16xf32> to vector<1xf32>
    %squeeze3A_44 = vector.extract %slice3A_43[0] : f32 from vector<1xf32>
    %slice3A_45 = vector.extract_strided_slice %get3A_40 {offsets = [3], sizes = [1], strides = [1]} : vector<16xf32> to vector<1xf32>
    %squeeze3A_46 = vector.extract %slice3A_45[0] : f32 from vector<1xf32>
    %slice3A_47 = vector.extract_strided_slice %get3A_40 {offsets = [4], sizes = [1], strides = [1]} : vector<16xf32> to vector<1xf32>
    %squeeze3A_48 = vector.extract %slice3A_47[0] : f32 from vector<1xf32>
    %slice3A_49 = vector.extract_strided_slice %get3A_40 {offsets = [5], sizes = [1], strides = [1]} : vector<16xf32> to vector<1xf32>
    %squeeze3A_50 = vector.extract %slice3A_49[0] : f32 from vector<1xf32>
    %slice3A_51 = vector.extract_strided_slice %get3A_40 {offsets = [6], sizes = [1], strides = [1]} : vector<16xf32> to vector<1xf32>
    %squeeze3A_52 = vector.extract %slice3A_51[0] : f32 from vector<1xf32>
    %slice3A_53 = vector.extract_strided_slice %get3A_40 {offsets = [7], sizes = [1], strides = [1]} : vector<16xf32> to vector<1xf32>
    %squeeze3A_54 = vector.extract %slice3A_53[0] : f32 from vector<1xf32>
    %slice3A_55 = vector.extract_strided_slice %get3A_40 {offsets = [8], sizes = [1], strides = [1]} : vector<16xf32> to vector<1xf32>
    %squeeze3A_56 = vector.extract %slice3A_55[0] : f32 from vector<1xf32>
    %slice3A_57 = vector.extract_strided_slice %get3A_40 {offsets = [0], sizes = [1], strides = [1]} : vector<16xf32> to vector<1xf32>
    %squeeze3A_58 = vector.extract %slice3A_57[0] : f32 from vector<1xf32>
    %sub3A = arith.subf %squeeze3A_56, %squeeze3A_58 : f32
    %slice3A_59 = vector.extract_strided_slice %get3A_40 {offsets = [9], sizes = [1], strides = [1]} : vector<16xf32> to vector<1xf32>
    %squeeze3A_60 = vector.extract %slice3A_59[0] : f32 from vector<1xf32>
    %slice3A_61 = vector.extract_strided_slice %get3A_40 {offsets = [1], sizes = [1], strides = [1]} : vector<16xf32> to vector<1xf32>
    %squeeze3A_62 = vector.extract %slice3A_61[0] : f32 from vector<1xf32>
    %sub3A_63 = arith.subf %squeeze3A_60, %squeeze3A_62 : f32
    %slice3A_64 = vector.extract_strided_slice %get3A_40 {offsets = [10], sizes = [1], strides = [1]} : vector<16xf32> to vector<1xf32>
    %squeeze3A_65 = vector.extract %slice3A_64[0] : f32 from vector<1xf32>
    %slice3A_66 = vector.extract_strided_slice %get3A_40 {offsets = [2], sizes = [1], strides = [1]} : vector<16xf32> to vector<1xf32>
    %squeeze3A_67 = vector.extract %slice3A_66[0] : f32 from vector<1xf32>
    %sub3A_68 = arith.subf %squeeze3A_65, %squeeze3A_67 : f32
    %slice3A_69 = vector.extract_strided_slice %get3A_40 {offsets = [11], sizes = [1], strides = [1]} : vector<16xf32> to vector<1xf32>
    %squeeze3A_70 = vector.extract %slice3A_69[0] : f32 from vector<1xf32>
    %slice3A_71 = vector.extract_strided_slice %get3A_40 {offsets = [3], sizes = [1], strides = [1]} : vector<16xf32> to vector<1xf32>
    %squeeze3A_72 = vector.extract %slice3A_71[0] : f32 from vector<1xf32>
    %sub3A_73 = arith.subf %squeeze3A_70, %squeeze3A_72 : f32
    %slice3A_74 = vector.extract_strided_slice %get3A_40 {offsets = [12], sizes = [1], strides = [1]} : vector<16xf32> to vector<1xf32>
    %squeeze3A_75 = vector.extract %slice3A_74[0] : f32 from vector<1xf32>
    %slice3A_76 = vector.extract_strided_slice %get3A_40 {offsets = [4], sizes = [1], strides = [1]} : vector<16xf32> to vector<1xf32>
    %squeeze3A_77 = vector.extract %slice3A_76[0] : f32 from vector<1xf32>
    %sub3A_78 = arith.subf %squeeze3A_75, %squeeze3A_77 : f32
    %slice3A_79 = vector.extract_strided_slice %get3A_40 {offsets = [13], sizes = [1], strides = [1]} : vector<16xf32> to vector<1xf32>
    %squeeze3A_80 = vector.extract %slice3A_79[0] : f32 from vector<1xf32>
    %slice3A_81 = vector.extract_strided_slice %get3A_40 {offsets = [5], sizes = [1], strides = [1]} : vector<16xf32> to vector<1xf32>
    %squeeze3A_82 = vector.extract %slice3A_81[0] : f32 from vector<1xf32>
    %sub3A_83 = arith.subf %squeeze3A_80, %squeeze3A_82 : f32
    %slice3A_84 = vector.extract_strided_slice %get3A_40 {offsets = [14], sizes = [1], strides = [1]} : vector<16xf32> to vector<1xf32>
    %squeeze3A_85 = vector.extract %slice3A_84[0] : f32 from vector<1xf32>
    %slice3A_86 = vector.extract_strided_slice %get3A_40 {offsets = [6], sizes = [1], strides = [1]} : vector<16xf32> to vector<1xf32>
    %squeeze3A_87 = vector.extract %slice3A_86[0] : f32 from vector<1xf32>
    %sub3A_88 = arith.subf %squeeze3A_85, %squeeze3A_87 : f32
    %slice3A_89 = vector.extract_strided_slice %get3A_40 {offsets = [15], sizes = [1], strides = [1]} : vector<16xf32> to vector<1xf32>
    %squeeze3A_90 = vector.extract %slice3A_89[0] : f32 from vector<1xf32>
    %slice3A_91 = vector.extract_strided_slice %get3A_40 {offsets = [7], sizes = [1], strides = [1]} : vector<16xf32> to vector<1xf32>
    %squeeze3A_92 = vector.extract %slice3A_91[0] : f32 from vector<1xf32>
    %sub3A_93 = arith.subf %squeeze3A_90, %squeeze3A_92 : f32
    %scan3A = arith.constant 0 : i32
    %scan3A_94 = arith.constant 0 : i32
    %scan3A_95 = arith.constant 32 : i32
    %scan3A_96 = arith.addi %scan3A_94, %scan3A_95 : i32
    %scan3A_97 = arith.constant 1 : i32
    %scan3A_98 = scf.for %scan3A_141 = %scan3A_94 to %scan3A_96 step %scan3A_97 iter_args(%scan3A_142 = %scan3A) -> (i32)  : i32 {
      %mul3A_143 = arith.constant 16 : i32
      %mul3A_144 = arith.muli %scan3A_141, %mul3A_143 : i32
      %get3A_145 = arith.index_cast %mul3A_144 : i32 to index
      %get3A_146 = tpu.vector_load %arg9[%get3A_145] {strides = array<i32>} : memref<1024xf32, #tpu.memory_space<vmem>>, vector<16xf32>,
      %get3A_147 = vector.shape_cast %get3A_146 : vector<16xf32> to vector<16xf32>
      %get3A_148 = arith.constant 0 : i32
      %get3A_149 = arith.index_cast %get3A_148 : i32 to index
      %get3A_150 = arith.index_cast %mul3A_144 : i32 to index
      %get3A_151 = tpu.vector_load %arg8[%get3A_149, %get3A_150] {strides = array<i32>} : memref<8x1024xf32, #tpu.memory_space<vmem>>, vector<1x16xf32>,
      %get3A_152 = vector.shape_cast %get3A_151 : vector<1x16xf32> to vector<16xf32>
      %broadcast_in_dim3A = vector.broadcast %squeeze3A : f32 to vector<16xf32>
      %mul3A_153 = vector.broadcast %sub3A : f32 to vector<16xf32>
      %mul3A_154 = arith.mulf %get3A_147, %mul3A_153 : vector<16xf32>
      %add3A_155 = arith.addf %broadcast_in_dim3A, %mul3A_154 : vector<16xf32>
      %add3A_156 = arith.addf %get3A_152, %add3A_155 : vector<16xf32>
      %swap3A = arith.constant 0 : i32
      %swap3A_157 = arith.index_cast %swap3A : i32 to index
      %swap3A_158 = arith.index_cast %mul3A_144 : i32 to index
      %swap3A_159 = tpu.vector_load %arg11[%swap3A_157, %swap3A_158] {strides = array<i32>} : memref<8x1024xf32, #tpu.memory_space<vmem>>, vector<1x16xf32>,
      %swap3A_160 = vector.shape_cast %swap3A_159 : vector<1x16xf32> to vector<16xf32>
      %swap3A_161 = vector.shape_cast %add3A_156 : vector<16xf32> to vector<1x16xf32>
      tpu.vector_store %arg11[%swap3A_157, %swap3A_158], %swap3A_161 {strides = array<i32>} : memref<8x1024xf32, #tpu.memory_space<vmem>>, vector<1x16xf32>,
      %get3A_162 = arith.constant 1 : i32
      %get3A_163 = arith.index_cast %get3A_162 : i32 to index
      %get3A_164 = arith.index_cast %mul3A_144 : i32 to index
      %get3A_165 = tpu.vector_load %arg8[%get3A_163, %get3A_164] {strides = array<i32>} : memref<8x1024xf32, #tpu.memory_space<vmem>>, vector<1x16xf32>,
      %get3A_166 = vector.shape_cast %get3A_165 : vector<1x16xf32> to vector<16xf32>
      %broadcast_in_dim3A_167 = vector.broadcast %squeeze3A_42 : f32 to vector<16xf32>
      %mul3A_168 = vector.broadcast %sub3A_63 : f32 to vector<16xf32>
      %mul3A_169 = arith.mulf %get3A_147, %mul3A_168 : vector<16xf32>
      %add3A_170 = arith.addf %broadcast_in_dim3A_167, %mul3A_169 : vector<16xf32>
      %add3A_171 = arith.addf %get3A_166, %add3A_170 : vector<16xf32>
      %swap3A_172 = arith.constant 1 : i32
      %swap3A_173 = arith.index_cast %swap3A_172 : i32 to index
      %swap3A_174 = arith.index_cast %mul3A_144 : i32 to index
      %swap3A_175 = tpu.vector_load %arg11[%swap3A_173, %swap3A_174] {strides = array<i32>} : memref<8x1024xf32, #tpu.memory_space<vmem>>, vector<1x16xf32>,
      %swap3A_176 = vector.shape_cast %swap3A_175 : vector<1x16xf32> to vector<16xf32>
      %swap3A_177 = vector.shape_cast %add3A_171 : vector<16xf32> to vector<1x16xf32>
      tpu.vector_store %arg11[%swap3A_173, %swap3A_174], %swap3A_177 {strides = array<i32>} : memref<8x1024xf32, #tpu.memory_space<vmem>>, vector<1x16xf32>,
      %get3A_178 = arith.constant 2 : i32
      %get3A_179 = arith.index_cast %get3A_178 : i32 to index
      %get3A_180 = arith.index_cast %mul3A_144 : i32 to index
      %get3A_181 = tpu.vector_load %arg8[%get3A_179, %get3A_180] {strides = array<i32>} : memref<8x1024xf32, #tpu.memory_space<vmem>>, vector<1x16xf32>,
      %get3A_182 = vector.shape_cast %get3A_181 : vector<1x16xf32> to vector<16xf32>
      %broadcast_in_dim3A_183 = vector.broadcast %squeeze3A_44 : f32 to vector<16xf32>
      %mul3A_184 = vector.broadcast %sub3A_68 : f32 to vector<16xf32>
      %mul3A_185 = arith.mulf %get3A_147, %mul3A_184 : vector<16xf32>
      %add3A_186 = arith.addf %broadcast_in_dim3A_183, %mul3A_185 : vector<16xf32>
      %add3A_187 = arith.addf %get3A_182, %add3A_186 : vector<16xf32>
      %swap3A_188 = arith.constant 2 : i32
      %swap3A_189 = arith.index_cast %swap3A_188 : i32 to index
      %swap3A_190 = arith.index_cast %mul3A_144 : i32 to index
      %swap3A_191 = tpu.vector_load %arg11[%swap3A_189, %swap3A_190] {strides = array<i32>} : memref<8x1024xf32, #tpu.memory_space<vmem>>, vector<1x16xf32>,
      %swap3A_192 = vector.shape_cast %swap3A_191 : vector<1x16xf32> to vector<16xf32>
      %swap3A_193 = vector.shape_cast %add3A_187 : vector<16xf32> to vector<1x16xf32>
      tpu.vector_store %arg11[%swap3A_189, %swap3A_190], %swap3A_193 {strides = array<i32>} : memref<8x1024xf32, #tpu.memory_space<vmem>>, vector<1x16xf32>,
      %get3A_194 = arith.constant 3 : i32
      %get3A_195 = arith.index_cast %get3A_194 : i32 to index
      %get3A_196 = arith.index_cast %mul3A_144 : i32 to index
      %get3A_197 = tpu.vector_load %arg8[%get3A_195, %get3A_196] {strides = array<i32>} : memref<8x1024xf32, #tpu.memory_space<vmem>>, vector<1x16xf32>,
      %get3A_198 = vector.shape_cast %get3A_197 : vector<1x16xf32> to vector<16xf32>
      %broadcast_in_dim3A_199 = vector.broadcast %squeeze3A_46 : f32 to vector<16xf32>
      %mul3A_200 = vector.broadcast %sub3A_73 : f32 to vector<16xf32>
      %mul3A_201 = arith.mulf %get3A_147, %mul3A_200 : vector<16xf32>
      %add3A_202 = arith.addf %broadcast_in_dim3A_199, %mul3A_201 : vector<16xf32>
      %add3A_203 = arith.addf %get3A_198, %add3A_202 : vector<16xf32>
      %swap3A_204 = arith.constant 3 : i32
      %swap3A_205 = arith.index_cast %swap3A_204 : i32 to index
      %swap3A_206 = arith.index_cast %mul3A_144 : i32 to index
      %swap3A_207 = tpu.vector_load %arg11[%swap3A_205, %swap3A_206] {strides = array<i32>} : memref<8x1024xf32, #tpu.memory_space<vmem>>, vector<1x16xf32>,
      %swap3A_208 = vector.shape_cast %swap3A_207 : vector<1x16xf32> to vector<16xf32>
      %swap3A_209 = vector.shape_cast %add3A_203 : vector<16xf32> to vector<1x16xf32>
      tpu.vector_store %arg11[%swap3A_205, %swap3A_206], %swap3A_209 {strides = array<i32>} : memref<8x1024xf32, #tpu.memory_space<vmem>>, vector<1x16xf32>,
      %get3A_210 = arith.constant 4 : i32
      %get3A_211 = arith.index_cast %get3A_210 : i32 to index
      %get3A_212 = arith.index_cast %mul3A_144 : i32 to index
      %get3A_213 = tpu.vector_load %arg8[%get3A_211, %get3A_212] {strides = array<i32>} : memref<8x1024xf32, #tpu.memory_space<vmem>>, vector<1x16xf32>,
      %get3A_214 = vector.shape_cast %get3A_213 : vector<1x16xf32> to vector<16xf32>
      %broadcast_in_dim3A_215 = vector.broadcast %squeeze3A_48 : f32 to vector<16xf32>
      %mul3A_216 = vector.broadcast %sub3A_78 : f32 to vector<16xf32>
      %mul3A_217 = arith.mulf %get3A_147, %mul3A_216 : vector<16xf32>
      %add3A_218 = arith.addf %broadcast_in_dim3A_215, %mul3A_217 : vector<16xf32>
      %add3A_219 = arith.addf %get3A_214, %add3A_218 : vector<16xf32>
      %swap3A_220 = arith.constant 4 : i32
      %swap3A_221 = arith.index_cast %swap3A_220 : i32 to index
      %swap3A_222 = arith.index_cast %mul3A_144 : i32 to index
      %swap3A_223 = tpu.vector_load %arg11[%swap3A_221, %swap3A_222] {strides = array<i32>} : memref<8x1024xf32, #tpu.memory_space<vmem>>, vector<1x16xf32>,
      %swap3A_224 = vector.shape_cast %swap3A_223 : vector<1x16xf32> to vector<16xf32>
      %swap3A_225 = vector.shape_cast %add3A_219 : vector<16xf32> to vector<1x16xf32>
      tpu.vector_store %arg11[%swap3A_221, %swap3A_222], %swap3A_225 {strides = array<i32>} : memref<8x1024xf32, #tpu.memory_space<vmem>>, vector<1x16xf32>,
      %get3A_226 = arith.constant 5 : i32
      %get3A_227 = arith.index_cast %get3A_226 : i32 to index
      %get3A_228 = arith.index_cast %mul3A_144 : i32 to index
      %get3A_229 = tpu.vector_load %arg8[%get3A_227, %get3A_228] {strides = array<i32>} : memref<8x1024xf32, #tpu.memory_space<vmem>>, vector<1x16xf32>,
      %get3A_230 = vector.shape_cast %get3A_229 : vector<1x16xf32> to vector<16xf32>
      %broadcast_in_dim3A_231 = vector.broadcast %squeeze3A_50 : f32 to vector<16xf32>
      %mul3A_232 = vector.broadcast %sub3A_83 : f32 to vector<16xf32>
      %mul3A_233 = arith.mulf %get3A_147, %mul3A_232 : vector<16xf32>
      %add3A_234 = arith.addf %broadcast_in_dim3A_231, %mul3A_233 : vector<16xf32>
      %add3A_235 = arith.addf %get3A_230, %add3A_234 : vector<16xf32>
      %swap3A_236 = arith.constant 5 : i32
      %swap3A_237 = arith.index_cast %swap3A_236 : i32 to index
      %swap3A_238 = arith.index_cast %mul3A_144 : i32 to index
      %swap3A_239 = tpu.vector_load %arg11[%swap3A_237, %swap3A_238] {strides = array<i32>} : memref<8x1024xf32, #tpu.memory_space<vmem>>, vector<1x16xf32>,
      %swap3A_240 = vector.shape_cast %swap3A_239 : vector<1x16xf32> to vector<16xf32>
      %swap3A_241 = vector.shape_cast %add3A_235 : vector<16xf32> to vector<1x16xf32>
      tpu.vector_store %arg11[%swap3A_237, %swap3A_238], %swap3A_241 {strides = array<i32>} : memref<8x1024xf32, #tpu.memory_space<vmem>>, vector<1x16xf32>,
      %get3A_242 = arith.constant 6 : i32
      %get3A_243 = arith.index_cast %get3A_242 : i32 to index
      %get3A_244 = arith.index_cast %mul3A_144 : i32 to index
      %get3A_245 = tpu.vector_load %arg8[%get3A_243, %get3A_244] {strides = array<i32>} : memref<8x1024xf32, #tpu.memory_space<vmem>>, vector<1x16xf32>,
      %get3A_246 = vector.shape_cast %get3A_245 : vector<1x16xf32> to vector<16xf32>
      %broadcast_in_dim3A_247 = vector.broadcast %squeeze3A_52 : f32 to vector<16xf32>
      %mul3A_248 = vector.broadcast %sub3A_88 : f32 to vector<16xf32>
      %mul3A_249 = arith.mulf %get3A_147, %mul3A_248 : vector<16xf32>
      %add3A_250 = arith.addf %broadcast_in_dim3A_247, %mul3A_249 : vector<16xf32>
      %add3A_251 = arith.addf %get3A_246, %add3A_250 : vector<16xf32>
      %swap3A_252 = arith.constant 6 : i32
      %swap3A_253 = arith.index_cast %swap3A_252 : i32 to index
      %swap3A_254 = arith.index_cast %mul3A_144 : i32 to index
      %swap3A_255 = tpu.vector_load %arg11[%swap3A_253, %swap3A_254] {strides = array<i32>} : memref<8x1024xf32, #tpu.memory_space<vmem>>, vector<1x16xf32>,
      %swap3A_256 = vector.shape_cast %swap3A_255 : vector<1x16xf32> to vector<16xf32>
      %swap3A_257 = vector.shape_cast %add3A_251 : vector<16xf32> to vector<1x16xf32>
      tpu.vector_store %arg11[%swap3A_253, %swap3A_254], %swap3A_257 {strides = array<i32>} : memref<8x1024xf32, #tpu.memory_space<vmem>>, vector<1x16xf32>,
      %get3A_258 = arith.constant 7 : i32
      %get3A_259 = arith.index_cast %get3A_258 : i32 to index
      %get3A_260 = arith.index_cast %mul3A_144 : i32 to index
      %get3A_261 = tpu.vector_load %arg8[%get3A_259, %get3A_260] {strides = array<i32>} : memref<8x1024xf32, #tpu.memory_space<vmem>>, vector<1x16xf32>,
      %get3A_262 = vector.shape_cast %get3A_261 : vector<1x16xf32> to vector<16xf32>
      %broadcast_in_dim3A_263 = vector.broadcast %squeeze3A_54 : f32 to vector<16xf32>
      %mul3A_264 = vector.broadcast %sub3A_93 : f32 to vector<16xf32>
      %mul3A_265 = arith.mulf %get3A_147, %mul3A_264 : vector<16xf32>
      %add3A_266 = arith.addf %broadcast_in_dim3A_263, %mul3A_265 : vector<16xf32>
      %add3A_267 = arith.addf %get3A_262, %add3A_266 : vector<16xf32>
      %swap3A_268 = arith.constant 7 : i32
      %swap3A_269 = arith.index_cast %swap3A_268 : i32 to index
      %swap3A_270 = arith.index_cast %mul3A_144 : i32 to index
      %swap3A_271 = tpu.vector_load %arg11[%swap3A_269, %swap3A_270] {strides = array<i32>} : memref<8x1024xf32, #tpu.memory_space<vmem>>, vector<1x16xf32>,
      %swap3A_272 = vector.shape_cast %swap3A_271 : vector<1x16xf32> to vector<16xf32>
      %swap3A_273 = vector.shape_cast %add3A_267 : vector<16xf32> to vector<1x16xf32>
      tpu.vector_store %arg11[%swap3A_269, %swap3A_270], %swap3A_273 {strides = array<i32>} : memref<8x1024xf32, #tpu.memory_space<vmem>>, vector<1x16xf32>,
      %broadcast_in_dim3A_274 = arith.constant 0 : i32
      %broadcast_in_dim3A_275 = vector.broadcast %broadcast_in_dim3A_274 : i32 to vector<16xi32>
      %broadcast_in_dim3A_276 = arith.constant 0xFF800000 : f32
      %broadcast_in_dim3A_277 = vector.broadcast %broadcast_in_dim3A_276 : f32 to vector<16xf32>
      %broadcast_in_dim3A_278 = arith.constant 0 : i32
      %broadcast_in_dim3A_279 = vector.broadcast %broadcast_in_dim3A_278 : i32 to vector<16xi32>
      %broadcast_in_dim3A_280 = arith.constant 1 : i32
      %broadcast_in_dim3A_281 = vector.broadcast %broadcast_in_dim3A_280 : i32 to vector<16xi32>
      %gt3A = arith.cmpf ogt, %add3A_171, %add3A_156 : vector<16xf32>
      %gt3A_282 = arith.cmpf ogt, %add3A_171, %broadcast_in_dim3A_277 : vector<16xf32>
      %select_n3A = arith.select %gt3A_282, %add3A_171, %broadcast_in_dim3A_277 : vector<16xi1>, vector<16xf32>
      %select_n3A_283 = arith.select %gt3A, %add3A_156, %select_n3A : vector<16xi1>, vector<16xf32>
      %select_n3A_284 = arith.select %gt3A_282, %broadcast_in_dim3A_281, %broadcast_in_dim3A_279 : vector<16xi1>, vector<16xi32>
      %select_n3A_285 = arith.select %gt3A, %broadcast_in_dim3A_275, %select_n3A_284 : vector<16xi1>, vector<16xi32>
      %select_n3A_286 = arith.select %gt3A, %add3A_171, %add3A_156 : vector<16xi1>, vector<16xf32>
      %select_n3A_287 = arith.select %gt3A, %broadcast_in_dim3A_281, %broadcast_in_dim3A_275 : vector<16xi1>, vector<16xi32>
      %broadcast_in_dim3A_288 = arith.constant 2 : i32
      %broadcast_in_dim3A_289 = vector.broadcast %broadcast_in_dim3A_288 : i32 to vector<16xi32>
      %gt3A_290 = arith.cmpf ogt, %add3A_187, %select_n3A_286 : vector<16xf32>
      %gt3A_291 = arith.cmpf ogt, %add3A_187, %select_n3A_283 : vector<16xf32>
      %select_n3A_292 = arith.select %gt3A_291, %add3A_187, %select_n3A_283 : vector<16xi1>, vector<16xf32>
      %select_n3A_293 = arith.select %gt3A_290, %select_n3A_286, %select_n3A_292 : vector<16xi1>, vector<16xf32>
      %select_n3A_294 = arith.select %gt3A_291, %broadcast_in_dim3A_289, %select_n3A_285 : vector<16xi1>, vector<16xi32>
      %select_n3A_295 = arith.select %gt3A_290, %select_n3A_287, %select_n3A_294 : vector<16xi1>, vector<16xi32>
      %select_n3A_296 = arith.select %gt3A_290, %add3A_187, %select_n3A_286 : vector<16xi1>, vector<16xf32>
      %select_n3A_297 = arith.select %gt3A_290, %broadcast_in_dim3A_289, %select_n3A_287 : vector<16xi1>, vector<16xi32>
      %broadcast_in_dim3A_298 = arith.constant 3 : i32
      %broadcast_in_dim3A_299 = vector.broadcast %broadcast_in_dim3A_298 : i32 to vector<16xi32>
      %gt3A_300 = arith.cmpf ogt, %add3A_203, %select_n3A_296 : vector<16xf32>
      %gt3A_301 = arith.cmpf ogt, %add3A_203, %select_n3A_293 : vector<16xf32>
      %select_n3A_302 = arith.select %gt3A_301, %add3A_203, %select_n3A_293 : vector<16xi1>, vector<16xf32>
      %select_n3A_303 = arith.select %gt3A_300, %select_n3A_296, %select_n3A_302 : vector<16xi1>, vector<16xf32>
      %select_n3A_304 = arith.select %gt3A_301, %broadcast_in_dim3A_299, %select_n3A_295 : vector<16xi1>, vector<16xi32>
      %select_n3A_305 = arith.select %gt3A_300, %select_n3A_297, %select_n3A_304 : vector<16xi1>, vector<16xi32>
      %select_n3A_306 = arith.select %gt3A_300, %add3A_203, %select_n3A_296 : vector<16xi1>, vector<16xf32>
      %select_n3A_307 = arith.select %gt3A_300, %broadcast_in_dim3A_299, %select_n3A_297 : vector<16xi1>, vector<16xi32>
      %broadcast_in_dim3A_308 = arith.constant 4 : i32
      %broadcast_in_dim3A_309 = vector.broadcast %broadcast_in_dim3A_308 : i32 to vector<16xi32>
      %gt3A_310 = arith.cmpf ogt, %add3A_219, %select_n3A_306 : vector<16xf32>
      %gt3A_311 = arith.cmpf ogt, %add3A_219, %select_n3A_303 : vector<16xf32>
      %select_n3A_312 = arith.select %gt3A_311, %add3A_219, %select_n3A_303 : vector<16xi1>, vector<16xf32>
      %select_n3A_313 = arith.select %gt3A_310, %select_n3A_306, %select_n3A_312 : vector<16xi1>, vector<16xf32>
      %select_n3A_314 = arith.select %gt3A_311, %broadcast_in_dim3A_309, %select_n3A_305 : vector<16xi1>, vector<16xi32>
      %select_n3A_315 = arith.select %gt3A_310, %select_n3A_307, %select_n3A_314 : vector<16xi1>, vector<16xi32>
      %select_n3A_316 = arith.select %gt3A_310, %add3A_219, %select_n3A_306 : vector<16xi1>, vector<16xf32>
      %select_n3A_317 = arith.select %gt3A_310, %broadcast_in_dim3A_309, %select_n3A_307 : vector<16xi1>, vector<16xi32>
      %broadcast_in_dim3A_318 = arith.constant 5 : i32
      %broadcast_in_dim3A_319 = vector.broadcast %broadcast_in_dim3A_318 : i32 to vector<16xi32>
      %gt3A_320 = arith.cmpf ogt, %add3A_235, %select_n3A_316 : vector<16xf32>
      %gt3A_321 = arith.cmpf ogt, %add3A_235, %select_n3A_313 : vector<16xf32>
      %select_n3A_322 = arith.select %gt3A_321, %add3A_235, %select_n3A_313 : vector<16xi1>, vector<16xf32>
      %select_n3A_323 = arith.select %gt3A_320, %select_n3A_316, %select_n3A_322 : vector<16xi1>, vector<16xf32>
      %select_n3A_324 = arith.select %gt3A_321, %broadcast_in_dim3A_319, %select_n3A_315 : vector<16xi1>, vector<16xi32>
      %select_n3A_325 = arith.select %gt3A_320, %select_n3A_317, %select_n3A_324 : vector<16xi1>, vector<16xi32>
      %select_n3A_326 = arith.select %gt3A_320, %add3A_235, %select_n3A_316 : vector<16xi1>, vector<16xf32>
      %select_n3A_327 = arith.select %gt3A_320, %broadcast_in_dim3A_319, %select_n3A_317 : vector<16xi1>, vector<16xi32>
      %broadcast_in_dim3A_328 = arith.constant 6 : i32
      %broadcast_in_dim3A_329 = vector.broadcast %broadcast_in_dim3A_328 : i32 to vector<16xi32>
      %gt3A_330 = arith.cmpf ogt, %add3A_251, %select_n3A_326 : vector<16xf32>
      %gt3A_331 = arith.cmpf ogt, %add3A_251, %select_n3A_323 : vector<16xf32>
      %select_n3A_332 = arith.select %gt3A_331, %add3A_251, %select_n3A_323 : vector<16xi1>, vector<16xf32>
      %select_n3A_333 = arith.select %gt3A_330, %select_n3A_326, %select_n3A_332 : vector<16xi1>, vector<16xf32>
      %select_n3A_334 = arith.select %gt3A_331, %broadcast_in_dim3A_329, %select_n3A_325 : vector<16xi1>, vector<16xi32>
      %select_n3A_335 = arith.select %gt3A_330, %select_n3A_327, %select_n3A_334 : vector<16xi1>, vector<16xi32>
      %select_n3A_336 = arith.select %gt3A_330, %add3A_251, %select_n3A_326 : vector<16xi1>, vector<16xf32>
      %select_n3A_337 = arith.select %gt3A_330, %broadcast_in_dim3A_329, %select_n3A_327 : vector<16xi1>, vector<16xi32>
      %broadcast_in_dim3A_338 = arith.constant 7 : i32
      %broadcast_in_dim3A_339 = vector.broadcast %broadcast_in_dim3A_338 : i32 to vector<16xi32>
      %gt3A_340 = arith.cmpf ogt, %add3A_267, %select_n3A_336 : vector<16xf32>
      %gt3A_341 = arith.cmpf ogt, %add3A_267, %select_n3A_333 : vector<16xf32>
      %select_n3A_342 = arith.select %gt3A_341, %add3A_267, %select_n3A_333 : vector<16xi1>, vector<16xf32>
      %select_n3A_343 = arith.select %gt3A_340, %select_n3A_336, %select_n3A_342 : vector<16xi1>, vector<16xf32>
      %select_n3A_344 = arith.select %gt3A_341, %broadcast_in_dim3A_339, %select_n3A_335 : vector<16xi1>, vector<16xi32>
      %select_n3A_345 = arith.select %gt3A_340, %select_n3A_337, %select_n3A_344 : vector<16xi1>, vector<16xi32>
      %select_n3A_346 = arith.select %gt3A_340, %add3A_267, %select_n3A_336 : vector<16xi1>, vector<16xf32>
      %select_n3A_347 = arith.select %gt3A_340, %broadcast_in_dim3A_339, %select_n3A_337 : vector<16xi1>, vector<16xi32>
      %sub3A_348 = arith.subf %select_n3A_343, %select_n3A_346 : vector<16xf32>
      %exp3A = math.exp %sub3A_348 : vector<16xf32>
      %add3A_349 = arith.constant 1.000000e+00 : f32
      %add3A_350 = vector.broadcast %add3A_349 : f32 to vector<16xf32>
      %add3A_351 = arith.addf %add3A_350, %exp3A : vector<16xf32>
      %swap3A_352 = arith.constant 0 : i32
      %swap3A_353 = arith.index_cast %swap3A_352 : i32 to index
      %swap3A_354 = arith.index_cast %mul3A_144 : i32 to index
      %swap3A_355 = tpu.vector_load %arg12[%swap3A_353, %swap3A_354] {strides = array<i32>} : memref<2x1024xi32, #tpu.memory_space<vmem>>, vector<1x16xi32>,
      %swap3A_356 = vector.shape_cast %swap3A_355 : vector<1x16xi32> to vector<16xi32>
      %swap3A_357 = vector.shape_cast %select_n3A_347 : vector<16xi32> to vector<1x16xi32>
      tpu.vector_store %arg12[%swap3A_353, %swap3A_354], %swap3A_357 {strides = array<i32>} : memref<2x1024xi32, #tpu.memory_space<vmem>>, vector<1x16xi32>,
      %swap3A_358 = arith.constant 1 : i32
      %swap3A_359 = arith.index_cast %swap3A_358 : i32 to index
      %swap3A_360 = arith.index_cast %mul3A_144 : i32 to index
      %swap3A_361 = tpu.vector_load %arg12[%swap3A_359, %swap3A_360] {strides = array<i32>} : memref<2x1024xi32, #tpu.memory_space<vmem>>, vector<1x16xi32>,
      %swap3A_362 = vector.shape_cast %swap3A_361 : vector<1x16xi32> to vector<16xi32>
      %swap3A_363 = vector.shape_cast %select_n3A_345 : vector<16xi32> to vector<1x16xi32>
      tpu.vector_store %arg12[%swap3A_359, %swap3A_360], %swap3A_363 {strides = array<i32>} : memref<2x1024xi32, #tpu.memory_space<vmem>>, vector<1x16xi32>,
      %div3A = arith.constant 1.000000e+00 : f32
      %div3A_364 = vector.broadcast %div3A : f32 to vector<16xf32>
      %div3A_365 = arith.divf %div3A_364, %add3A_351 : vector<16xf32>
      %swap3A_366 = arith.constant 0 : i32
      %swap3A_367 = arith.index_cast %swap3A_366 : i32 to index
      %swap3A_368 = arith.index_cast %mul3A_144 : i32 to index
      %swap3A_369 = tpu.vector_load %arg13[%swap3A_367, %swap3A_368] {strides = array<i32>} : memref<2x1024xf32, #tpu.memory_space<vmem>>, vector<1x16xf32>,
      %swap3A_370 = vector.shape_cast %swap3A_369 : vector<1x16xf32> to vector<16xf32>
      %swap3A_371 = vector.shape_cast %div3A_365 : vector<16xf32> to vector<1x16xf32>
      tpu.vector_store %arg13[%swap3A_367, %swap3A_368], %swap3A_371 {strides = array<i32>} : memref<2x1024xf32, #tpu.memory_space<vmem>>, vector<1x16xf32>,
      %div3A_372 = arith.divf %exp3A, %add3A_351 : vector<16xf32>
      %swap3A_373 = arith.constant 1 : i32
      %swap3A_374 = arith.index_cast %swap3A_373 : i32 to index
      %swap3A_375 = arith.index_cast %mul3A_144 : i32 to index
      %swap3A_376 = tpu.vector_load %arg13[%swap3A_374, %swap3A_375] {strides = array<i32>} : memref<2x1024xf32, #tpu.memory_space<vmem>>, vector<1x16xf32>,
      %swap3A_377 = vector.shape_cast %swap3A_376 : vector<1x16xf32> to vector<16xf32>
      %swap3A_378 = vector.shape_cast %div3A_372 : vector<16xf32> to vector<1x16xf32>
      tpu.vector_store %arg13[%swap3A_374, %swap3A_375], %swap3A_378 {strides = array<i32>} : memref<2x1024xf32, #tpu.memory_space<vmem>>, vector<1x16xf32>,
      %scan3A_379 = arith.constant 0 : i32
      scf.yield %scan3A_379 : i32
    }
    %scan3A_99 = arith.constant 32 : i32
    %dma_wait3A_100 = arith.constant 0 : i32
    %dma_wait3A_101 = arith.constant 512 : i32
    %dma_wait3A_102 = tpu.memref_slice %arg8[%dma_wait3A_100, %dma_wait3A_101] : memref<8x1024xf32, #tpu.memory_space<vmem>> -> memref<8x512xf32, #tpu.memory_space<vmem>>
    %dma_wait3A_103 = arith.constant 0 : i32
    %dma_wait3A_104 = tpu.memref_slice %arg2[%dma_wait3A_103, %add3A_15] : memref<8x32768xf32, #tpu.memory_space<hbm>> -> memref<8x512xf32, #tpu.memory_space<hbm>>
    %dma_wait3A_105 = arith.constant 0 : i32
    %dma_wait3A_106 = arith.constant 512 : i32
    %dma_wait3A_107 = tpu.memref_slice %arg8[%dma_wait3A_105, %dma_wait3A_106] : memref<8x1024xf32, #tpu.memory_space<vmem>> -> memref<8x512xf32, #tpu.memory_space<vmem>>
    %dma_wait3A_108 = arith.constant 0 : i32
    %dma_wait3A_109 = tpu.memref_slice %arg2[%dma_wait3A_108, %add3A_15] : memref<8x32768xf32, #tpu.memory_space<hbm>> -> memref<8x512xf32, #tpu.memory_space<hbm>>
    tpu.wait_dma2 semaphore(%arg15 : memref<!tpu.dma_semaphore, #tpu.memory_space<semaphore_mem>>) src(%dma_wait3A_109 : memref<8x512xf32, #tpu.memory_space<hbm>>) dst(%dma_wait3A_107 : memref<8x512xf32, #tpu.memory_space<vmem>>)
    %scan3A_110 = arith.constant 0 : i32
    %scan3A_111 = arith.constant 32 : i32
    %scan3A_112 = arith.constant 32 : i32
    %scan3A_113 = arith.addi %scan3A_111, %scan3A_112 : i32
    %scan3A_114 = arith.constant 1 : i32
    %scan3A_115 = scf.for %scan3A_141 = %scan3A_111 to %scan3A_113 step %scan3A_114 iter_args(%scan3A_142 = %scan3A_110) -> (i32)  : i32 {
      %mul3A_143 = arith.constant 16 : i32
      %mul3A_144 = arith.muli %scan3A_141, %mul3A_143 : i32
      %get3A_145 = arith.index_cast %mul3A_144 : i32 to index
      %get3A_146 = tpu.vector_load %arg9[%get3A_145] {strides = array<i32>} : memref<1024xf32, #tpu.memory_space<vmem>>, vector<16xf32>,
      %get3A_147 = vector.shape_cast %get3A_146 : vector<16xf32> to vector<16xf32>
      %get3A_148 = arith.constant 0 : i32
      %get3A_149 = arith.index_cast %get3A_148 : i32 to index
      %get3A_150 = arith.index_cast %mul3A_144 : i32 to index
      %get3A_151 = tpu.vector_load %arg8[%get3A_149, %get3A_150] {strides = array<i32>} : memref<8x1024xf32, #tpu.memory_space<vmem>>, vector<1x16xf32>,
      %get3A_152 = vector.shape_cast %get3A_151 : vector<1x16xf32> to vector<16xf32>
      %broadcast_in_dim3A = vector.broadcast %squeeze3A : f32 to vector<16xf32>
      %mul3A_153 = vector.broadcast %sub3A : f32 to vector<16xf32>
      %mul3A_154 = arith.mulf %get3A_147, %mul3A_153 : vector<16xf32>
      %add3A_155 = arith.addf %broadcast_in_dim3A, %mul3A_154 : vector<16xf32>
      %add3A_156 = arith.addf %get3A_152, %add3A_155 : vector<16xf32>
      %swap3A = arith.constant 0 : i32
      %swap3A_157 = arith.index_cast %swap3A : i32 to index
      %swap3A_158 = arith.index_cast %mul3A_144 : i32 to index
      %swap3A_159 = tpu.vector_load %arg11[%swap3A_157, %swap3A_158] {strides = array<i32>} : memref<8x1024xf32, #tpu.memory_space<vmem>>, vector<1x16xf32>,
      %swap3A_160 = vector.shape_cast %swap3A_159 : vector<1x16xf32> to vector<16xf32>
      %swap3A_161 = vector.shape_cast %add3A_156 : vector<16xf32> to vector<1x16xf32>
      tpu.vector_store %arg11[%swap3A_157, %swap3A_158], %swap3A_161 {strides = array<i32>} : memref<8x1024xf32, #tpu.memory_space<vmem>>, vector<1x16xf32>,
      %get3A_162 = arith.constant 1 : i32
      %get3A_163 = arith.index_cast %get3A_162 : i32 to index
      %get3A_164 = arith.index_cast %mul3A_144 : i32 to index
      %get3A_165 = tpu.vector_load %arg8[%get3A_163, %get3A_164] {strides = array<i32>} : memref<8x1024xf32, #tpu.memory_space<vmem>>, vector<1x16xf32>,
      %get3A_166 = vector.shape_cast %get3A_165 : vector<1x16xf32> to vector<16xf32>
      %broadcast_in_dim3A_167 = vector.broadcast %squeeze3A_42 : f32 to vector<16xf32>
      %mul3A_168 = vector.broadcast %sub3A_63 : f32 to vector<16xf32>
      %mul3A_169 = arith.mulf %get3A_147, %mul3A_168 : vector<16xf32>
      %add3A_170 = arith.addf %broadcast_in_dim3A_167, %mul3A_169 : vector<16xf32>
      %add3A_171 = arith.addf %get3A_166, %add3A_170 : vector<16xf32>
      %swap3A_172 = arith.constant 1 : i32
      %swap3A_173 = arith.index_cast %swap3A_172 : i32 to index
      %swap3A_174 = arith.index_cast %mul3A_144 : i32 to index
      %swap3A_175 = tpu.vector_load %arg11[%swap3A_173, %swap3A_174] {strides = array<i32>} : memref<8x1024xf32, #tpu.memory_space<vmem>>, vector<1x16xf32>,
      %swap3A_176 = vector.shape_cast %swap3A_175 : vector<1x16xf32> to vector<16xf32>
      %swap3A_177 = vector.shape_cast %add3A_171 : vector<16xf32> to vector<1x16xf32>
      tpu.vector_store %arg11[%swap3A_173, %swap3A_174], %swap3A_177 {strides = array<i32>} : memref<8x1024xf32, #tpu.memory_space<vmem>>, vector<1x16xf32>,
      %get3A_178 = arith.constant 2 : i32
      %get3A_179 = arith.index_cast %get3A_178 : i32 to index
      %get3A_180 = arith.index_cast %mul3A_144 : i32 to index
      %get3A_181 = tpu.vector_load %arg8[%get3A_179, %get3A_180] {strides = array<i32>} : memref<8x1024xf32, #tpu.memory_space<vmem>>, vector<1x16xf32>,
      %get3A_182 = vector.shape_cast %get3A_181 : vector<1x16xf32> to vector<16xf32>
      %broadcast_in_dim3A_183 = vector.broadcast %squeeze3A_44 : f32 to vector<16xf32>
      %mul3A_184 = vector.broadcast %sub3A_68 : f32 to vector<16xf32>
      %mul3A_185 = arith.mulf %get3A_147, %mul3A_184 : vector<16xf32>
      %add3A_186 = arith.addf %broadcast_in_dim3A_183, %mul3A_185 : vector<16xf32>
      %add3A_187 = arith.addf %get3A_182, %add3A_186 : vector<16xf32>
      %swap3A_188 = arith.constant 2 : i32
      %swap3A_189 = arith.index_cast %swap3A_188 : i32 to index
      %swap3A_190 = arith.index_cast %mul3A_144 : i32 to index
      %swap3A_191 = tpu.vector_load %arg11[%swap3A_189, %swap3A_190] {strides = array<i32>} : memref<8x1024xf32, #tpu.memory_space<vmem>>, vector<1x16xf32>,
      %swap3A_192 = vector.shape_cast %swap3A_191 : vector<1x16xf32> to vector<16xf32>
      %swap3A_193 = vector.shape_cast %add3A_187 : vector<16xf32> to vector<1x16xf32>
      tpu.vector_store %arg11[%swap3A_189, %swap3A_190], %swap3A_193 {strides = array<i32>} : memref<8x1024xf32, #tpu.memory_space<vmem>>, vector<1x16xf32>,
      %get3A_194 = arith.constant 3 : i32
      %get3A_195 = arith.index_cast %get3A_194 : i32 to index
      %get3A_196 = arith.index_cast %mul3A_144 : i32 to index
      %get3A_197 = tpu.vector_load %arg8[%get3A_195, %get3A_196] {strides = array<i32>} : memref<8x1024xf32, #tpu.memory_space<vmem>>, vector<1x16xf32>,
      %get3A_198 = vector.shape_cast %get3A_197 : vector<1x16xf32> to vector<16xf32>
      %broadcast_in_dim3A_199 = vector.broadcast %squeeze3A_46 : f32 to vector<16xf32>
      %mul3A_200 = vector.broadcast %sub3A_73 : f32 to vector<16xf32>
      %mul3A_201 = arith.mulf %get3A_147, %mul3A_200 : vector<16xf32>
      %add3A_202 = arith.addf %broadcast_in_dim3A_199, %mul3A_201 : vector<16xf32>
      %add3A_203 = arith.addf %get3A_198, %add3A_202 : vector<16xf32>
      %swap3A_204 = arith.constant 3 : i32
      %swap3A_205 = arith.index_cast %swap3A_204 : i32 to index
      %swap3A_206 = arith.index_cast %mul3A_144 : i32 to index
      %swap3A_207 = tpu.vector_load %arg11[%swap3A_205, %swap3A_206] {strides = array<i32>} : memref<8x1024xf32, #tpu.memory_space<vmem>>, vector<1x16xf32>,
      %swap3A_208 = vector.shape_cast %swap3A_207 : vector<1x16xf32> to vector<16xf32>
      %swap3A_209 = vector.shape_cast %add3A_203 : vector<16xf32> to vector<1x16xf32>
      tpu.vector_store %arg11[%swap3A_205, %swap3A_206], %swap3A_209 {strides = array<i32>} : memref<8x1024xf32, #tpu.memory_space<vmem>>, vector<1x16xf32>,
      %get3A_210 = arith.constant 4 : i32
      %get3A_211 = arith.index_cast %get3A_210 : i32 to index
      %get3A_212 = arith.index_cast %mul3A_144 : i32 to index
      %get3A_213 = tpu.vector_load %arg8[%get3A_211, %get3A_212] {strides = array<i32>} : memref<8x1024xf32, #tpu.memory_space<vmem>>, vector<1x16xf32>,
      %get3A_214 = vector.shape_cast %get3A_213 : vector<1x16xf32> to vector<16xf32>
      %broadcast_in_dim3A_215 = vector.broadcast %squeeze3A_48 : f32 to vector<16xf32>
      %mul3A_216 = vector.broadcast %sub3A_78 : f32 to vector<16xf32>
      %mul3A_217 = arith.mulf %get3A_147, %mul3A_216 : vector<16xf32>
      %add3A_218 = arith.addf %broadcast_in_dim3A_215, %mul3A_217 : vector<16xf32>
      %add3A_219 = arith.addf %get3A_214, %add3A_218 : vector<16xf32>
      %swap3A_220 = arith.constant 4 : i32
      %swap3A_221 = arith.index_cast %swap3A_220 : i32 to index
      %swap3A_222 = arith.index_cast %mul3A_144 : i32 to index
      %swap3A_223 = tpu.vector_load %arg11[%swap3A_221, %swap3A_222] {strides = array<i32>} : memref<8x1024xf32, #tpu.memory_space<vmem>>, vector<1x16xf32>,
      %swap3A_224 = vector.shape_cast %swap3A_223 : vector<1x16xf32> to vector<16xf32>
      %swap3A_225 = vector.shape_cast %add3A_219 : vector<16xf32> to vector<1x16xf32>
      tpu.vector_store %arg11[%swap3A_221, %swap3A_222], %swap3A_225 {strides = array<i32>} : memref<8x1024xf32, #tpu.memory_space<vmem>>, vector<1x16xf32>,
      %get3A_226 = arith.constant 5 : i32
      %get3A_227 = arith.index_cast %get3A_226 : i32 to index
      %get3A_228 = arith.index_cast %mul3A_144 : i32 to index
      %get3A_229 = tpu.vector_load %arg8[%get3A_227, %get3A_228] {strides = array<i32>} : memref<8x1024xf32, #tpu.memory_space<vmem>>, vector<1x16xf32>,
      %get3A_230 = vector.shape_cast %get3A_229 : vector<1x16xf32> to vector<16xf32>
      %broadcast_in_dim3A_231 = vector.broadcast %squeeze3A_50 : f32 to vector<16xf32>
      %mul3A_232 = vector.broadcast %sub3A_83 : f32 to vector<16xf32>
      %mul3A_233 = arith.mulf %get3A_147, %mul3A_232 : vector<16xf32>
      %add3A_234 = arith.addf %broadcast_in_dim3A_231, %mul3A_233 : vector<16xf32>
      %add3A_235 = arith.addf %get3A_230, %add3A_234 : vector<16xf32>
      %swap3A_236 = arith.constant 5 : i32
      %swap3A_237 = arith.index_cast %swap3A_236 : i32 to index
      %swap3A_238 = arith.index_cast %mul3A_144 : i32 to index
      %swap3A_239 = tpu.vector_load %arg11[%swap3A_237, %swap3A_238] {strides = array<i32>} : memref<8x1024xf32, #tpu.memory_space<vmem>>, vector<1x16xf32>,
      %swap3A_240 = vector.shape_cast %swap3A_239 : vector<1x16xf32> to vector<16xf32>
      %swap3A_241 = vector.shape_cast %add3A_235 : vector<16xf32> to vector<1x16xf32>
      tpu.vector_store %arg11[%swap3A_237, %swap3A_238], %swap3A_241 {strides = array<i32>} : memref<8x1024xf32, #tpu.memory_space<vmem>>, vector<1x16xf32>,
      %get3A_242 = arith.constant 6 : i32
      %get3A_243 = arith.index_cast %get3A_242 : i32 to index
      %get3A_244 = arith.index_cast %mul3A_144 : i32 to index
      %get3A_245 = tpu.vector_load %arg8[%get3A_243, %get3A_244] {strides = array<i32>} : memref<8x1024xf32, #tpu.memory_space<vmem>>, vector<1x16xf32>,
      %get3A_246 = vector.shape_cast %get3A_245 : vector<1x16xf32> to vector<16xf32>
      %broadcast_in_dim3A_247 = vector.broadcast %squeeze3A_52 : f32 to vector<16xf32>
      %mul3A_248 = vector.broadcast %sub3A_88 : f32 to vector<16xf32>
      %mul3A_249 = arith.mulf %get3A_147, %mul3A_248 : vector<16xf32>
      %add3A_250 = arith.addf %broadcast_in_dim3A_247, %mul3A_249 : vector<16xf32>
      %add3A_251 = arith.addf %get3A_246, %add3A_250 : vector<16xf32>
      %swap3A_252 = arith.constant 6 : i32
      %swap3A_253 = arith.index_cast %swap3A_252 : i32 to index
      %swap3A_254 = arith.index_cast %mul3A_144 : i32 to index
      %swap3A_255 = tpu.vector_load %arg11[%swap3A_253, %swap3A_254] {strides = array<i32>} : memref<8x1024xf32, #tpu.memory_space<vmem>>, vector<1x16xf32>,
      %swap3A_256 = vector.shape_cast %swap3A_255 : vector<1x16xf32> to vector<16xf32>
      %swap3A_257 = vector.shape_cast %add3A_251 : vector<16xf32> to vector<1x16xf32>
      tpu.vector_store %arg11[%swap3A_253, %swap3A_254], %swap3A_257 {strides = array<i32>} : memref<8x1024xf32, #tpu.memory_space<vmem>>, vector<1x16xf32>,
      %get3A_258 = arith.constant 7 : i32
      %get3A_259 = arith.index_cast %get3A_258 : i32 to index
      %get3A_260 = arith.index_cast %mul3A_144 : i32 to index
      %get3A_261 = tpu.vector_load %arg8[%get3A_259, %get3A_260] {strides = array<i32>} : memref<8x1024xf32, #tpu.memory_space<vmem>>, vector<1x16xf32>,
      %get3A_262 = vector.shape_cast %get3A_261 : vector<1x16xf32> to vector<16xf32>
      %broadcast_in_dim3A_263 = vector.broadcast %squeeze3A_54 : f32 to vector<16xf32>
      %mul3A_264 = vector.broadcast %sub3A_93 : f32 to vector<16xf32>
      %mul3A_265 = arith.mulf %get3A_147, %mul3A_264 : vector<16xf32>
      %add3A_266 = arith.addf %broadcast_in_dim3A_263, %mul3A_265 : vector<16xf32>
      %add3A_267 = arith.addf %get3A_262, %add3A_266 : vector<16xf32>
      %swap3A_268 = arith.constant 7 : i32
      %swap3A_269 = arith.index_cast %swap3A_268 : i32 to index
      %swap3A_270 = arith.index_cast %mul3A_144 : i32 to index
      %swap3A_271 = tpu.vector_load %arg11[%swap3A_269, %swap3A_270] {strides = array<i32>} : memref<8x1024xf32, #tpu.memory_space<vmem>>, vector<1x16xf32>,
      %swap3A_272 = vector.shape_cast %swap3A_271 : vector<1x16xf32> to vector<16xf32>
      %swap3A_273 = vector.shape_cast %add3A_267 : vector<16xf32> to vector<1x16xf32>
      tpu.vector_store %arg11[%swap3A_269, %swap3A_270], %swap3A_273 {strides = array<i32>} : memref<8x1024xf32, #tpu.memory_space<vmem>>, vector<1x16xf32>,
      %broadcast_in_dim3A_274 = arith.constant 0 : i32
      %broadcast_in_dim3A_275 = vector.broadcast %broadcast_in_dim3A_274 : i32 to vector<16xi32>
      %broadcast_in_dim3A_276 = arith.constant 0xFF800000 : f32
      %broadcast_in_dim3A_277 = vector.broadcast %broadcast_in_dim3A_276 : f32 to vector<16xf32>
      %broadcast_in_dim3A_278 = arith.constant 0 : i32
      %broadcast_in_dim3A_279 = vector.broadcast %broadcast_in_dim3A_278 : i32 to vector<16xi32>
      %broadcast_in_dim3A_280 = arith.constant 1 : i32
      %broadcast_in_dim3A_281 = vector.broadcast %broadcast_in_dim3A_280 : i32 to vector<16xi32>
      %gt3A = arith.cmpf ogt, %add3A_171, %add3A_156 : vector<16xf32>
      %gt3A_282 = arith.cmpf ogt, %add3A_171, %broadcast_in_dim3A_277 : vector<16xf32>
      %select_n3A = arith.select %gt3A_282, %add3A_171, %broadcast_in_dim3A_277 : vector<16xi1>, vector<16xf32>
      %select_n3A_283 = arith.select %gt3A, %add3A_156, %select_n3A : vector<16xi1>, vector<16xf32>
      %select_n3A_284 = arith.select %gt3A_282, %broadcast_in_dim3A_281, %broadcast_in_dim3A_279 : vector<16xi1>, vector<16xi32>
      %select_n3A_285 = arith.select %gt3A, %broadcast_in_dim3A_275, %select_n3A_284 : vector<16xi1>, vector<16xi32>
      %select_n3A_286 = arith.select %gt3A, %add3A_171, %add3A_156 : vector<16xi1>, vector<16xf32>
      %select_n3A_287 = arith.select %gt3A, %broadcast_in_dim3A_281, %broadcast_in_dim3A_275 : vector<16xi1>, vector<16xi32>
      %broadcast_in_dim3A_288 = arith.constant 2 : i32
      %broadcast_in_dim3A_289 = vector.broadcast %broadcast_in_dim3A_288 : i32 to vector<16xi32>
      %gt3A_290 = arith.cmpf ogt, %add3A_187, %select_n3A_286 : vector<16xf32>
      %gt3A_291 = arith.cmpf ogt, %add3A_187, %select_n3A_283 : vector<16xf32>
      %select_n3A_292 = arith.select %gt3A_291, %add3A_187, %select_n3A_283 : vector<16xi1>, vector<16xf32>
      %select_n3A_293 = arith.select %gt3A_290, %select_n3A_286, %select_n3A_292 : vector<16xi1>, vector<16xf32>
      %select_n3A_294 = arith.select %gt3A_291, %broadcast_in_dim3A_289, %select_n3A_285 : vector<16xi1>, vector<16xi32>
      %select_n3A_295 = arith.select %gt3A_290, %select_n3A_287, %select_n3A_294 : vector<16xi1>, vector<16xi32>
      %select_n3A_296 = arith.select %gt3A_290, %add3A_187, %select_n3A_286 : vector<16xi1>, vector<16xf32>
      %select_n3A_297 = arith.select %gt3A_290, %broadcast_in_dim3A_289, %select_n3A_287 : vector<16xi1>, vector<16xi32>
      %broadcast_in_dim3A_298 = arith.constant 3 : i32
      %broadcast_in_dim3A_299 = vector.broadcast %broadcast_in_dim3A_298 : i32 to vector<16xi32>
      %gt3A_300 = arith.cmpf ogt, %add3A_203, %select_n3A_296 : vector<16xf32>
      %gt3A_301 = arith.cmpf ogt, %add3A_203, %select_n3A_293 : vector<16xf32>
      %select_n3A_302 = arith.select %gt3A_301, %add3A_203, %select_n3A_293 : vector<16xi1>, vector<16xf32>
      %select_n3A_303 = arith.select %gt3A_300, %select_n3A_296, %select_n3A_302 : vector<16xi1>, vector<16xf32>
      %select_n3A_304 = arith.select %gt3A_301, %broadcast_in_dim3A_299, %select_n3A_295 : vector<16xi1>, vector<16xi32>
      %select_n3A_305 = arith.select %gt3A_300, %select_n3A_297, %select_n3A_304 : vector<16xi1>, vector<16xi32>
      %select_n3A_306 = arith.select %gt3A_300, %add3A_203, %select_n3A_296 : vector<16xi1>, vector<16xf32>
      %select_n3A_307 = arith.select %gt3A_300, %broadcast_in_dim3A_299, %select_n3A_297 : vector<16xi1>, vector<16xi32>
      %broadcast_in_dim3A_308 = arith.constant 4 : i32
      %broadcast_in_dim3A_309 = vector.broadcast %broadcast_in_dim3A_308 : i32 to vector<16xi32>
      %gt3A_310 = arith.cmpf ogt, %add3A_219, %select_n3A_306 : vector<16xf32>
      %gt3A_311 = arith.cmpf ogt, %add3A_219, %select_n3A_303 : vector<16xf32>
      %select_n3A_312 = arith.select %gt3A_311, %add3A_219, %select_n3A_303 : vector<16xi1>, vector<16xf32>
      %select_n3A_313 = arith.select %gt3A_310, %select_n3A_306, %select_n3A_312 : vector<16xi1>, vector<16xf32>
      %select_n3A_314 = arith.select %gt3A_311, %broadcast_in_dim3A_309, %select_n3A_305 : vector<16xi1>, vector<16xi32>
      %select_n3A_315 = arith.select %gt3A_310, %select_n3A_307, %select_n3A_314 : vector<16xi1>, vector<16xi32>
      %select_n3A_316 = arith.select %gt3A_310, %add3A_219, %select_n3A_306 : vector<16xi1>, vector<16xf32>
      %select_n3A_317 = arith.select %gt3A_310, %broadcast_in_dim3A_309, %select_n3A_307 : vector<16xi1>, vector<16xi32>
      %broadcast_in_dim3A_318 = arith.constant 5 : i32
      %broadcast_in_dim3A_319 = vector.broadcast %broadcast_in_dim3A_318 : i32 to vector<16xi32>
      %gt3A_320 = arith.cmpf ogt, %add3A_235, %select_n3A_316 : vector<16xf32>
      %gt3A_321 = arith.cmpf ogt, %add3A_235, %select_n3A_313 : vector<16xf32>
      %select_n3A_322 = arith.select %gt3A_321, %add3A_235, %select_n3A_313 : vector<16xi1>, vector<16xf32>
      %select_n3A_323 = arith.select %gt3A_320, %select_n3A_316, %select_n3A_322 : vector<16xi1>, vector<16xf32>
      %select_n3A_324 = arith.select %gt3A_321, %broadcast_in_dim3A_319, %select_n3A_315 : vector<16xi1>, vector<16xi32>
      %select_n3A_325 = arith.select %gt3A_320, %select_n3A_317, %select_n3A_324 : vector<16xi1>, vector<16xi32>
      %select_n3A_326 = arith.select %gt3A_320, %add3A_235, %select_n3A_316 : vector<16xi1>, vector<16xf32>
      %select_n3A_327 = arith.select %gt3A_320, %broadcast_in_dim3A_319, %select_n3A_317 : vector<16xi1>, vector<16xi32>
      %broadcast_in_dim3A_328 = arith.constant 6 : i32
      %broadcast_in_dim3A_329 = vector.broadcast %broadcast_in_dim3A_328 : i32 to vector<16xi32>
      %gt3A_330 = arith.cmpf ogt, %add3A_251, %select_n3A_326 : vector<16xf32>
      %gt3A_331 = arith.cmpf ogt, %add3A_251, %select_n3A_323 : vector<16xf32>
      %select_n3A_332 = arith.select %gt3A_331, %add3A_251, %select_n3A_323 : vector<16xi1>, vector<16xf32>
      %select_n3A_333 = arith.select %gt3A_330, %select_n3A_326, %select_n3A_332 : vector<16xi1>, vector<16xf32>
      %select_n3A_334 = arith.select %gt3A_331, %broadcast_in_dim3A_329, %select_n3A_325 : vector<16xi1>, vector<16xi32>
      %select_n3A_335 = arith.select %gt3A_330, %select_n3A_327, %select_n3A_334 : vector<16xi1>, vector<16xi32>
      %select_n3A_336 = arith.select %gt3A_330, %add3A_251, %select_n3A_326 : vector<16xi1>, vector<16xf32>
      %select_n3A_337 = arith.select %gt3A_330, %broadcast_in_dim3A_329, %select_n3A_327 : vector<16xi1>, vector<16xi32>
      %broadcast_in_dim3A_338 = arith.constant 7 : i32
      %broadcast_in_dim3A_339 = vector.broadcast %broadcast_in_dim3A_338 : i32 to vector<16xi32>
      %gt3A_340 = arith.cmpf ogt, %add3A_267, %select_n3A_336 : vector<16xf32>
      %gt3A_341 = arith.cmpf ogt, %add3A_267, %select_n3A_333 : vector<16xf32>
      %select_n3A_342 = arith.select %gt3A_341, %add3A_267, %select_n3A_333 : vector<16xi1>, vector<16xf32>
      %select_n3A_343 = arith.select %gt3A_340, %select_n3A_336, %select_n3A_342 : vector<16xi1>, vector<16xf32>
      %select_n3A_344 = arith.select %gt3A_341, %broadcast_in_dim3A_339, %select_n3A_335 : vector<16xi1>, vector<16xi32>
      %select_n3A_345 = arith.select %gt3A_340, %select_n3A_337, %select_n3A_344 : vector<16xi1>, vector<16xi32>
      %select_n3A_346 = arith.select %gt3A_340, %add3A_267, %select_n3A_336 : vector<16xi1>, vector<16xf32>
      %select_n3A_347 = arith.select %gt3A_340, %broadcast_in_dim3A_339, %select_n3A_337 : vector<16xi1>, vector<16xi32>
      %sub3A_348 = arith.subf %select_n3A_343, %select_n3A_346 : vector<16xf32>
      %exp3A = math.exp %sub3A_348 : vector<16xf32>
      %add3A_349 = arith.constant 1.000000e+00 : f32
      %add3A_350 = vector.broadcast %add3A_349 : f32 to vector<16xf32>
      %add3A_351 = arith.addf %add3A_350, %exp3A : vector<16xf32>
      %swap3A_352 = arith.constant 0 : i32
      %swap3A_353 = arith.index_cast %swap3A_352 : i32 to index
      %swap3A_354 = arith.index_cast %mul3A_144 : i32 to index
      %swap3A_355 = tpu.vector_load %arg12[%swap3A_353, %swap3A_354] {strides = array<i32>} : memref<2x1024xi32, #tpu.memory_space<vmem>>, vector<1x16xi32>,
      %swap3A_356 = vector.shape_cast %swap3A_355 : vector<1x16xi32> to vector<16xi32>
      %swap3A_357 = vector.shape_cast %select_n3A_347 : vector<16xi32> to vector<1x16xi32>
      tpu.vector_store %arg12[%swap3A_353, %swap3A_354], %swap3A_357 {strides = array<i32>} : memref<2x1024xi32, #tpu.memory_space<vmem>>, vector<1x16xi32>,
      %swap3A_358 = arith.constant 1 : i32
      %swap3A_359 = arith.index_cast %swap3A_358 : i32 to index
      %swap3A_360 = arith.index_cast %mul3A_144 : i32 to index
      %swap3A_361 = tpu.vector_load %arg12[%swap3A_359, %swap3A_360] {strides = array<i32>} : memref<2x1024xi32, #tpu.memory_space<vmem>>, vector<1x16xi32>,
      %swap3A_362 = vector.shape_cast %swap3A_361 : vector<1x16xi32> to vector<16xi32>
      %swap3A_363 = vector.shape_cast %select_n3A_345 : vector<16xi32> to vector<1x16xi32>
      tpu.vector_store %arg12[%swap3A_359, %swap3A_360], %swap3A_363 {strides = array<i32>} : memref<2x1024xi32, #tpu.memory_space<vmem>>, vector<1x16xi32>,
      %div3A = arith.constant 1.000000e+00 : f32
      %div3A_364 = vector.broadcast %div3A : f32 to vector<16xf32>
      %div3A_365 = arith.divf %div3A_364, %add3A_351 : vector<16xf32>
      %swap3A_366 = arith.constant 0 : i32
      %swap3A_367 = arith.index_cast %swap3A_366 : i32 to index
      %swap3A_368 = arith.index_cast %mul3A_144 : i32 to index
      %swap3A_369 = tpu.vector_load %arg13[%swap3A_367, %swap3A_368] {strides = array<i32>} : memref<2x1024xf32, #tpu.memory_space<vmem>>, vector<1x16xf32>,
      %swap3A_370 = vector.shape_cast %swap3A_369 : vector<1x16xf32> to vector<16xf32>
      %swap3A_371 = vector.shape_cast %div3A_365 : vector<16xf32> to vector<1x16xf32>
      tpu.vector_store %arg13[%swap3A_367, %swap3A_368], %swap3A_371 {strides = array<i32>} : memref<2x1024xf32, #tpu.memory_space<vmem>>, vector<1x16xf32>,
      %div3A_372 = arith.divf %exp3A, %add3A_351 : vector<16xf32>
      %swap3A_373 = arith.constant 1 : i32
      %swap3A_374 = arith.index_cast %swap3A_373 : i32 to index
      %swap3A_375 = arith.index_cast %mul3A_144 : i32 to index
      %swap3A_376 = tpu.vector_load %arg13[%swap3A_374, %swap3A_375] {strides = array<i32>} : memref<2x1024xf32, #tpu.memory_space<vmem>>, vector<1x16xf32>,
      %swap3A_377 = vector.shape_cast %swap3A_376 : vector<1x16xf32> to vector<16xf32>
      %swap3A_378 = vector.shape_cast %div3A_372 : vector<16xf32> to vector<1x16xf32>
      tpu.vector_store %arg13[%swap3A_374, %swap3A_375], %swap3A_378 {strides = array<i32>} : memref<2x1024xf32, #tpu.memory_space<vmem>>, vector<1x16xf32>,
      %scan3A_379 = arith.constant 0 : i32
      scf.yield %scan3A_379 : i32
    }
    %scan3A_116 = arith.constant 32 : i32
    %dma_start3A_117 = arith.constant 0 : i32
    %dma_start3A_118 = tpu.memref_slice %arg5[%dma_start3A_117, %mul3A_2] : memref<8x32768xf32, #tpu.memory_space<hbm>> -> memref<8x1024xf32, #tpu.memory_space<hbm>>
    %dma_start3A_119 = arith.constant 0 : i32
    %dma_start3A_120 = tpu.memref_slice %arg5[%dma_start3A_119, %mul3A_2] : memref<8x32768xf32, #tpu.memory_space<hbm>> -> memref<8x1024xf32, #tpu.memory_space<hbm>>
    tpu.enqueue_dma source(%arg11 : memref<8x1024xf32, #tpu.memory_space<vmem>>) target(%dma_start3A_120 : memref<8x1024xf32, #tpu.memory_space<hbm>>) target_semaphore(%arg14 : memref<!tpu.dma_semaphore, #tpu.memory_space<semaphore_mem>>)
    %dma_start3A_121 = arith.constant 0 : i32
    %dma_start3A_122 = tpu.memref_slice %arg6[%dma_start3A_121, %mul3A_2] : memref<2x32768xi32, #tpu.memory_space<hbm>> -> memref<2x1024xi32, #tpu.memory_space<hbm>>
    %dma_start3A_123 = arith.constant 0 : i32
    %dma_start3A_124 = tpu.memref_slice %arg6[%dma_start3A_123, %mul3A_2] : memref<2x32768xi32, #tpu.memory_space<hbm>> -> memref<2x1024xi32, #tpu.memory_space<hbm>>
    tpu.enqueue_dma source(%arg12 : memref<2x1024xi32, #tpu.memory_space<vmem>>) target(%dma_start3A_124 : memref<2x1024xi32, #tpu.memory_space<hbm>>) target_semaphore(%arg14 : memref<!tpu.dma_semaphore, #tpu.memory_space<semaphore_mem>>)
    %dma_start3A_125 = arith.constant 0 : i32
    %dma_start3A_126 = tpu.memref_slice %arg7[%dma_start3A_125, %mul3A_2] : memref<2x32768xf32, #tpu.memory_space<hbm>> -> memref<2x1024xf32, #tpu.memory_space<hbm>>
    %dma_start3A_127 = arith.constant 0 : i32
    %dma_start3A_128 = tpu.memref_slice %arg7[%dma_start3A_127, %mul3A_2] : memref<2x32768xf32, #tpu.memory_space<hbm>> -> memref<2x1024xf32, #tpu.memory_space<hbm>>
    tpu.enqueue_dma source(%arg13 : memref<2x1024xf32, #tpu.memory_space<vmem>>) target(%dma_start3A_128 : memref<2x1024xf32, #tpu.memory_space<hbm>>) target_semaphore(%arg14 : memref<!tpu.dma_semaphore, #tpu.memory_space<semaphore_mem>>)
    %dma_wait3A_129 = arith.constant 0 : i32
    %dma_wait3A_130 = tpu.memref_slice %arg5[%dma_wait3A_129, %mul3A_2] : memref<8x32768xf32, #tpu.memory_space<hbm>> -> memref<8x1024xf32, #tpu.memory_space<hbm>>
    %dma_wait3A_131 = arith.constant 0 : i32
    %dma_wait3A_132 = tpu.memref_slice %arg5[%dma_wait3A_131, %mul3A_2] : memref<8x32768xf32, #tpu.memory_space<hbm>> -> memref<8x1024xf32, #tpu.memory_space<hbm>>
    tpu.wait_dma2 semaphore(%arg14 : memref<!tpu.dma_semaphore, #tpu.memory_space<semaphore_mem>>) src(%arg11 : memref<8x1024xf32, #tpu.memory_space<vmem>>) dst(%dma_wait3A_132 : memref<8x1024xf32, #tpu.memory_space<hbm>>)
    %dma_wait3A_133 = arith.constant 0 : i32
    %dma_wait3A_134 = tpu.memref_slice %arg6[%dma_wait3A_133, %mul3A_2] : memref<2x32768xi32, #tpu.memory_space<hbm>> -> memref<2x1024xi32, #tpu.memory_space<hbm>>
    %dma_wait3A_135 = arith.constant 0 : i32
    %dma_wait3A_136 = tpu.memref_slice %arg6[%dma_wait3A_135, %mul3A_2] : memref<2x32768xi32, #tpu.memory_space<hbm>> -> memref<2x1024xi32, #tpu.memory_space<hbm>>
    tpu.wait_dma2 semaphore(%arg14 : memref<!tpu.dma_semaphore, #tpu.memory_space<semaphore_mem>>) src(%arg12 : memref<2x1024xi32, #tpu.memory_space<vmem>>) dst(%dma_wait3A_136 : memref<2x1024xi32, #tpu.memory_space<hbm>>)
    %dma_wait3A_137 = arith.constant 0 : i32
    %dma_wait3A_138 = tpu.memref_slice %arg7[%dma_wait3A_137, %mul3A_2] : memref<2x32768xf32, #tpu.memory_space<hbm>> -> memref<2x1024xf32, #tpu.memory_space<hbm>>
    %dma_wait3A_139 = arith.constant 0 : i32
    %dma_wait3A_140 = tpu.memref_slice %arg7[%dma_wait3A_139, %mul3A_2] : memref<2x32768xf32, #tpu.memory_space<hbm>> -> memref<2x1024xf32, #tpu.memory_space<hbm>>
    tpu.wait_dma2 semaphore(%arg14 : memref<!tpu.dma_semaphore, #tpu.memory_space<semaphore_mem>>) src(%arg13 : memref<2x1024xf32, #tpu.memory_space<vmem>>) dst(%dma_wait3A_140 : memref<2x1024xf32, #tpu.memory_space<hbm>>)
    return
  }
}

module attributes {stable_mosaic.version = 14 : i64} {
  func.func @_tc_body(%arg0: i32, %arg1: memref<2048x768xf32, #tpu.memory_space<vmem>>, %arg2: memref<2048x768xf32, #tpu.memory_space<vmem>>, %arg3: memref<1x192xf32, #tpu.memory_space<vmem>>, %arg4: memref<1x192xf32, #tpu.memory_space<vmem>>, %arg5: memref<1x192xf32, #tpu.memory_space<vmem>>, %arg6: memref<1x192xf32, #tpu.memory_space<vmem>>, %arg7: memref<8x960xf32, #tpu.memory_space<vmem>>, %arg8: memref<8x4096xf32, #tpu.memory_space<vmem>>, %arg9: memref<1x16xf32, #tpu.memory_space<vmem>>) attributes {dimension_semantics = [#tpu.dimension_semantics<arbitrary>], iteration_bounds = array<i64: 8>, scalar_prefetch = 0 : i64, scratch_operands = 0 : i64, tpu.core_type = #tpu.core_type<tc>, window_params = [{transform_indices = @transform_0, window_bounds = array<i64: 2048, 768>}, {transform_indices = @transform_1, window_bounds = array<i64: 2048, 768>}, {pipeline_mode = #tpu.pipeline_mode<synchronous>, transform_indices = @transform_2, window_bounds = array<i64: 1, 192>}, {pipeline_mode = #tpu.pipeline_mode<synchronous>, transform_indices = @transform_3, window_bounds = array<i64: 1, 192>}, {pipeline_mode = #tpu.pipeline_mode<synchronous>, transform_indices = @transform_4, window_bounds = array<i64: 1, 192>}, {pipeline_mode = #tpu.pipeline_mode<synchronous>, transform_indices = @transform_5, window_bounds = array<i64: 1, 192>}, {pipeline_mode = #tpu.pipeline_mode<synchronous>, transform_indices = @transform_6, window_bounds = array<i64: 8, 960>}, {transform_indices = @transform_7, window_bounds = array<i64: 8, 4096>}, {pipeline_mode = #tpu.pipeline_mode<synchronous>, transform_indices = @transform_8, window_bounds = array<i64: 1, 16>}]} {
    %get3A = arith.constant 0 : index
    %get3A_0 = arith.constant 0 : index
    %get3A_1 = vector.load %arg7[%get3A, %get3A_0] : memref<8x960xf32, #tpu.memory_space<vmem>>, vector<8x960xf32>
    %transpose3A = tpu.transpose %get3A_1, [1, 0] : vector<8x960xf32> -> vector<960x8xf32>
    %slice3A = vector.extract_strided_slice %transpose3A {offsets = [0, 0], sizes = [768, 8], strides = [1, 1]} : vector<960x8xf32> to vector<768x8xf32>
    %slice3A_2 = vector.extract_strided_slice %transpose3A {offsets = [768, 0], sizes = [192, 8], strides = [1, 1]} : vector<960x8xf32> to vector<192x8xf32>
    %get3A_3 = arith.constant 0 : index
    %get3A_4 = arith.constant 0 : index
    %get3A_5 = vector.load %arg3[%get3A_3, %get3A_4] : memref<1x192xf32, #tpu.memory_space<vmem>>, vector<1x192xf32>
    %get3A_6 = arith.constant 0 : index
    %get3A_7 = arith.constant 0 : index
    %get3A_8 = vector.load %arg4[%get3A_6, %get3A_7] : memref<1x192xf32, #tpu.memory_space<vmem>>, vector<1x192xf32>
    %get3A_9 = arith.constant 0 : index
    %get3A_10 = arith.constant 0 : index
    %get3A_11 = vector.load %arg5[%get3A_9, %get3A_10] : memref<1x192xf32, #tpu.memory_space<vmem>>, vector<1x192xf32>
    %get3A_12 = arith.constant 0 : index
    %get3A_13 = arith.constant 0 : index
    %get3A_14 = vector.load %arg6[%get3A_12, %get3A_13] : memref<1x192xf32, #tpu.memory_space<vmem>>, vector<1x192xf32>
    %iota3A = tpu.iota {dimensions = array<i32: 0>} : vector<8x1xi32>
    %eq3A = arith.constant 1 : i32
    %eq3A_15 = vector.broadcast %eq3A : i32 to vector<8x1xi32>
    %eq3A_16 = arith.cmpi eq, %iota3A, %eq3A_15 : vector<8x1xi32>
    %add3A = arith.addf %get3A_5, %get3A_8 : vector<1x192xf32>
    %broadcast_in_dim3A = arith.constant 1.000000e+00 : f32
    %broadcast_in_dim3A_17 = vector.broadcast %broadcast_in_dim3A : f32 to vector<8x1xf32>
    %mul3A = vector.broadcast %get3A_8 : vector<1x192xf32> to vector<8x192xf32>
    %mul3A_18 = vector.broadcast %broadcast_in_dim3A_17 : vector<8x1xf32> to vector<8x192xf32>
    %mul3A_19 = arith.mulf %mul3A, %mul3A_18 : vector<8x192xf32>
    %broadcast_in_dim3A_20 = vector.shape_cast %eq3A_16 : vector<8x1xi1> to vector<8x1xi1>
    %broadcast_in_dim3A_21 = vector.broadcast %broadcast_in_dim3A_20 : vector<8x1xi1> to vector<8x192xi1>
    %broadcast_in_dim3A_22 = vector.shape_cast %add3A : vector<1x192xf32> to vector<1x192xf32>
    %broadcast_in_dim3A_23 = vector.broadcast %broadcast_in_dim3A_22 : vector<1x192xf32> to vector<8x192xf32>
    %select_n3A = arith.select %broadcast_in_dim3A_21, %broadcast_in_dim3A_23, %mul3A_19 : vector<8x192xi1>, vector<8x192xf32>
    %reduce_sum3A = arith.constant dense<0.000000e+00> : vector<8xf32>
    %reduce_sum3A_24 = vector.multi_reduction <add>, %select_n3A, %reduce_sum3A [1] : vector<8x192xf32> to vector<8xf32>
    %broadcast_in_dim3A_25 = vector.shape_cast %reduce_sum3A_24 : vector<8xf32> to vector<8x1xf32>
    %div3A = arith.constant 1.920000e+02 : f32
    %div3A_26 = vector.broadcast %div3A : f32 to vector<8x1xf32>
    %div3A_27 = arith.divf %broadcast_in_dim3A_25, %div3A_26 : vector<8x1xf32>
    %sub3A = vector.broadcast %div3A_27 : vector<8x1xf32> to vector<8x192xf32>
    %sub3A_28 = arith.subf %select_n3A, %sub3A : vector<8x192xf32>
    %integer_pow3A = arith.mulf %sub3A_28, %sub3A_28 : vector<8x192xf32>
    %reduce_sum3A_29 = arith.constant dense<0.000000e+00> : vector<8xf32>
    %reduce_sum3A_30 = vector.multi_reduction <add>, %integer_pow3A, %reduce_sum3A_29 [1] : vector<8x192xf32> to vector<8xf32>
    %broadcast_in_dim3A_31 = vector.shape_cast %reduce_sum3A_30 : vector<8xf32> to vector<8x1xf32>
    %div3A_32 = arith.constant 1.920000e+02 : f32
    %div3A_33 = vector.broadcast %div3A_32 : f32 to vector<8x1xf32>
    %div3A_34 = arith.divf %broadcast_in_dim3A_31, %div3A_33 : vector<8x1xf32>
    %sub3A_35 = vector.broadcast %div3A_27 : vector<8x1xf32> to vector<8x192xf32>
    %sub3A_36 = arith.subf %select_n3A, %sub3A_35 : vector<8x192xf32>
    %add3A_37 = arith.constant 9.99999974E-6 : f32
    %add3A_38 = vector.broadcast %add3A_37 : f32 to vector<8x1xf32>
    %add3A_39 = arith.addf %div3A_34, %add3A_38 : vector<8x1xf32>
    %sqrt3A = math.sqrt %add3A_39 : vector<8x1xf32>
    %div3A_40 = vector.broadcast %sqrt3A : vector<8x1xf32> to vector<8x192xf32>
    %div3A_41 = arith.divf %sub3A_36, %div3A_40 : vector<8x192xf32>
    %mul3A_42 = vector.broadcast %get3A_11 : vector<1x192xf32> to vector<8x192xf32>
    %mul3A_43 = arith.mulf %div3A_41, %mul3A_42 : vector<8x192xf32>
    %add3A_44 = vector.broadcast %get3A_14 : vector<1x192xf32> to vector<8x192xf32>
    %add3A_45 = arith.addf %mul3A_43, %add3A_44 : vector<8x192xf32>
    %dot_general3A = arith.constant dense<0.000000e+00> : vector<8x8xf32>
    %dot_general3A_46 = tpu.matmul %add3A_45, %slice3A_2, %dot_general3A {dimension_numbers = #tpu.dot_dimension_numbers<[1], [0], [0], [1], [0, 0, 1, 1], [], []>, transpose_lhs_hint = false} : vector<8x192xf32>, vector<192x8xf32>, vector<8x8xf32> -> vector<8x8xf32>
    %slice3A_47 = vector.extract_strided_slice %dot_general3A_46 {offsets = [0, 0], sizes = [1, 8], strides = [1, 1]} : vector<8x8xf32> to vector<1x8xf32>
    %slice3A_48 = vector.extract_strided_slice %dot_general3A_46 {offsets = [1, 0], sizes = [1, 8], strides = [1, 1]} : vector<8x8xf32> to vector<1x8xf32>
    %concatenate3A = tpu.concatenate %slice3A_47, %slice3A_48 in 1 : vector<1x8xf32>, vector<1x8xf32> -> vector<1x16xf32>
    %swap3A = arith.constant 0 : index
    %swap3A_49 = arith.constant 0 : index
    %swap3A_50 = vector.load %arg9[%swap3A, %swap3A_49] : memref<1x16xf32, #tpu.memory_space<vmem>>, vector<1x16xf32>
    tpu.vector_store %arg9[%swap3A, %swap3A_49], %concatenate3A {strides = array<i32>} : memref<1x16xf32, #tpu.memory_space<vmem>>, vector<1x16xf32>,
    %get3A_51 = arith.constant 0 : index
    %get3A_52 = arith.constant 0 : index
    %get3A_53 = vector.load %arg1[%get3A_51, %get3A_52] : memref<2048x768xf32, #tpu.memory_space<vmem>>, vector<2048x768xf32>
    %dot_general3A_54 = arith.constant dense<0.000000e+00> : vector<2048x8xf32>
    %dot_general3A_55 = tpu.matmul %get3A_53, %slice3A, %dot_general3A_54 {dimension_numbers = #tpu.dot_dimension_numbers<[1], [0], [0], [1], [0, 0, 1, 1], [], []>, transpose_lhs_hint = false} : vector<2048x768xf32>, vector<768x8xf32>, vector<2048x8xf32> -> vector<2048x8xf32>
    %transpose3A_56 = tpu.transpose %dot_general3A_55, [1, 0] : vector<2048x8xf32> -> vector<8x2048xf32>
    %swap3A_57 = arith.constant 0 : index
    %swap3A_58 = arith.constant 0 : index
    %swap3A_59 = vector.load %arg8[%swap3A_57, %swap3A_58] : memref<8x4096xf32, #tpu.memory_space<vmem>>, vector<8x2048xf32>
    tpu.vector_store %arg8[%swap3A_57, %swap3A_58], %transpose3A_56 {strides = array<i32>} : memref<8x4096xf32, #tpu.memory_space<vmem>>, vector<8x2048xf32>,
    %get3A_60 = arith.constant 0 : index
    %get3A_61 = arith.constant 0 : index
    %get3A_62 = vector.load %arg2[%get3A_60, %get3A_61] : memref<2048x768xf32, #tpu.memory_space<vmem>>, vector<2048x768xf32>
    %dot_general3A_63 = arith.constant dense<0.000000e+00> : vector<2048x8xf32>
    %dot_general3A_64 = tpu.matmul %get3A_62, %slice3A, %dot_general3A_63 {dimension_numbers = #tpu.dot_dimension_numbers<[1], [0], [0], [1], [0, 0, 1, 1], [], []>, transpose_lhs_hint = false} : vector<2048x768xf32>, vector<768x8xf32>, vector<2048x8xf32> -> vector<2048x8xf32>
    %transpose3A_65 = tpu.transpose %dot_general3A_64, [1, 0] : vector<2048x8xf32> -> vector<8x2048xf32>
    %swap3A_66 = arith.constant 0 : index
    %swap3A_67 = arith.constant 2048 : index
    %swap3A_68 = vector.load %arg8[%swap3A_66, %swap3A_67] : memref<8x4096xf32, #tpu.memory_space<vmem>>, vector<8x2048xf32>
    tpu.vector_store %arg8[%swap3A_66, %swap3A_67], %transpose3A_65 {strides = array<i32>} : memref<8x4096xf32, #tpu.memory_space<vmem>>, vector<8x2048xf32>,
    return
  }
  func.func @transform_0(%arg0: i32) -> (i32, i32) {
    %mul3A = arith.constant 2 : i32
    %mul3A_0 = arith.muli %mul3A, %arg0 : i32
    %c0_i32 = arith.constant 0 : i32
    %c0_i32_1 = arith.constant 0 : i32
    return %mul3A_0, %c0_i32 : i32, i32
  }
  func.func @transform_1(%arg0: i32) -> (i32, i32) {
    %mul3A = arith.constant 2 : i32
    %mul3A_0 = arith.muli %mul3A, %arg0 : i32
    %add3A = arith.constant 1 : i32
    %add3A_1 = arith.addi %mul3A_0, %add3A : i32
    %c0_i32 = arith.constant 0 : i32
    %c0_i32_2 = arith.constant 0 : i32
    return %add3A_1, %c0_i32 : i32, i32
  }
  func.func @transform_2(%arg0: i32) -> (i32, i32) {
    %c0_i32 = arith.constant 0 : i32
    %c0_i32_0 = arith.constant 0 : i32
    %c0_i32_1 = arith.constant 0 : i32
    return %c0_i32, %c0_i32_0 : i32, i32
  }
  func.func @transform_3(%arg0: i32) -> (i32, i32) {
    %c0_i32 = arith.constant 0 : i32
    %c0_i32_0 = arith.constant 0 : i32
    %c0_i32_1 = arith.constant 0 : i32
    return %c0_i32, %c0_i32_0 : i32, i32
  }
  func.func @transform_4(%arg0: i32) -> (i32, i32) {
    %c0_i32 = arith.constant 0 : i32
    %c0_i32_0 = arith.constant 0 : i32
    %c0_i32_1 = arith.constant 0 : i32
    return %c0_i32, %c0_i32_0 : i32, i32
  }
  func.func @transform_5(%arg0: i32) -> (i32, i32) {
    %c0_i32 = arith.constant 0 : i32
    %c0_i32_0 = arith.constant 0 : i32
    %c0_i32_1 = arith.constant 0 : i32
    return %c0_i32, %c0_i32_0 : i32, i32
  }
  func.func @transform_6(%arg0: i32) -> (i32, i32) {
    %c0_i32 = arith.constant 0 : i32
    %c0_i32_0 = arith.constant 0 : i32
    %c0_i32_1 = arith.constant 0 : i32
    return %c0_i32, %c0_i32_0 : i32, i32
  }
  func.func @transform_7(%arg0: i32) -> (i32, i32) {
    %c0_i32 = arith.constant 0 : i32
    %c0_i32_0 = arith.constant 0 : i32
    return %c0_i32, %arg0 : i32, i32
  }
  func.func @transform_8(%arg0: i32) -> (i32, i32) {
    %c0_i32 = arith.constant 0 : i32
    %c0_i32_0 = arith.constant 0 : i32
    %c0_i32_1 = arith.constant 0 : i32
    return %c0_i32, %c0_i32_0 : i32, i32
  }
}

</mosaic_0001>

<sc_bundles>
// kernel: kernel.4.cloned.1.call-start
scs
__scs_entry_jumppad:
0x0: {  	(pc) =	sbr.rel $0x88, $3  }
0x1: {  	(tag) =	ssettag $0x0;
	lr =	simm.s32 $0x1  }
0x2: {  	[smem:$0x3F9A] =	sst lr;
	_ =	strace $0xD0000000  }
0x3: {  	_ = 	snop  }
0x4: {  	_ = 	snop  }
0x5: {  	_ = 	snop  }
0x6: {  	_ = 	snop  }
0x7: {  	_ = 	snop  }
__scs_overlays_trampoline_lowered:
0x8: {  	[smem:$0x3FA9] =	sst s0  }
0x9: {  	[smem:$0x3FAA] =	sst s1  }
0xa: {  	[smem:$0x3FAB] =	sst s2  }
0xb: {  	[smem:$0x3FAC] =	sst s3  }
0xc: {  	[smem:$0x3FAD] =	sst s4  }
0xd: {  	[smem:$0x3FAE] =	sst s5  }
0xe: {  	[smem:$0x3FAF] =	sst s6  }
0xf: {  	[smem:$0x3FB0] =	sst s7  }
0x10: {  	[smem:$0x3FB1] =	sst s8  }
0x11: {  	[smem:$0x3FB2] =	sst s9;
	s0 =	simm.s32 @!p0 $0x0  }
0x12: {  	s1 =	sld [smem:$0x3F98];
	s0 =	simm.s32 @p0 $0x1  }
0x13: {  	[smem:$0x3FB3] =	sst s0;
	s0 =	simm.s32 @!p1 $0x0  }
0x14: {  	s2 =	sld [smem:$0x3F97];
	s0 =	simm.s32 @p1 $0x1  }
0x15: {  	[smem:$0x3FB4] =	sst s0;
	s0 =	simm.s32 @!p2 $0x0  }
0x16: {  	s3 =	sld [smem:$0x3FDB];
	s0 =	simm.s32 @p2 $0x1  }
0x17: {  	s4 =	simm.s32 $0x1BF5;
	[smem:$0x3FB6] =	sst s0  }
0x18: {  	s0 =	sld [smem:$0x3F99];
	_ =	swait.ge [sflag:s4], $0x0  }
0x19: {  	s7 =	sld [smem:$0x3F9A]  }
0x1a: {  	s8 =	sadd.s32 $0xFFFFE003, lr  }
0x1b: {  	s9 =	sadd.s32 $0xFFFFFEF7, lr;
	s5 =	simm.s32 $0xFFFFFFFF;
	p2 =	slt.u32 s8, $0xFFFFF086  }
0x1c: {  	p1 =	slt.u32 s9, $0xF7A;
	s5 =	simm.s32 @!p2 $0x0  }
0x1d: {  	s5 =	simm.s32 @p1 $0x1;
	p0 =	seq.s32 s7, s2  }
0x1e: {  	s7 =	smul.u32 @!p0 $0xF7A, s2;
	p2 =	seq.s32 @!p0 s5, $0x0  }
0x1f: {  	s9 =	smul.u32 $0xF7A, s1;
	s8 =	simm.s32 @!p0 $0x1BF5;
	p2 =	por !p2, p0  }
0x20: {  	[sflag:s8] =	ssyncset.s32 @!p0 $0xFFFFF086;
	s6 =	sadd.s32 @!p0 s3, s7;
	s7 =	simm.s32 @!p0 $0x108  }
0x21: {  	s3 =	sadd.s32 s3, s9;
	s6 =	sadd.s32 @!p0 $0x88, s6;
	s7 =	simm.s32 @p2 $0x1082  }
0x22: {  	[simem:s7], [sflag:s8] =	dma.local @!p0 [hbm:s6], $0xF7A  }
0x23: {  	s9 =	sor.u32 $0xD0000000, s2;
	s6 =	simm.s32 $0x108;
	_ =	swait.ge @!p0 [sflag:s8], $0x0  }
0x24: {  	s3 =	sadd.s32 $0x88, s3;
	s6 =	simm.s32 @!p1 $0x1082;
	[sflag:s4] =	ssyncset.s32 $0xFFFFF086  }
0x25: {  	[simem:s6], [sflag:s4] =	dma.local [hbm:s3], $0xF7A  }
0x26: {  	[smem:$0x3F9A] =	sst s1;
	(tag) =	ssettag s2;
	_ =	strace s9  }
0x27: {  	s1 =	sld [smem:$0x3FAA]  }
0x28: {  	s2 =	sld [smem:$0x3FAB]  }
0x29: {  	s4 =	sld [smem:$0x3FAD]  }
0x2a: {  	p0 =	seq.s32 s5, $0x0;
	s5 =	sld [smem:$0x3FAE]  }
0x2b: {  	s6 =	sld [smem:$0x3FAF]  }
0x2c: {  	s7 =	sld [smem:$0x3FB0]  }
0x2d: {  	s3 =	simm.s32 $0x108;
	s8 =	sld [smem:$0x3FB1]  }
0x2e: {  	s3 =	simm.s32 @!p0 $0x1082;
	s9 =	sld [smem:$0x3FB2]  }
0x2f: {  	lr =	sadd.s32 s0, s3;
	s0 =	sld [smem:$0x3FA9]  }
0x30: {  	s3 =	sld [smem:$0x3FAC]  }
0x31: {  	[smem:$0x3FB5] =	sst s10  }
0x32: {  	s10 =	sld [smem:$0x3FB3];
	_ =	sdelay $0x3  }
0x33: {  	p0 =	seq.s32 s10, $0x1;
	s10 =	sld [smem:$0x3FB5];
	_ =	sdelay $0x3  }
0x34: {  	[smem:$0x3FB5] =	sst s10  }
0x35: {  	s10 =	sld [smem:$0x3FB4];
	_ =	sdelay $0x3  }
0x36: {  	p1 =	seq.s32 s10, $0x1;
	s10 =	sld [smem:$0x3FB5];
	_ =	sdelay $0x3  }
0x37: {  	[smem:$0x3FB5] =	sst s10  }
0x38: {  	s10 =	sld [smem:$0x3FB6]  }
0x39: {  	_ = 	snop;
	(pc) =	sbr.ind lr, $3  }
0x3a: {  	_ = 	snop  }
0x3b: {  	_ = 	snop  }
0x3c: {  	p2 =	seq.s32 s10, $0x1;
	s10 =	sld [smem:$0x3FB5]  }
0x3d: {  	_ =	shalt  }
0x3e: {  	_ =	shalt  }
0x3f: {  	_ =	shalt  }
0x40: {  	_ =	shalt  }
0x41: {  	_ =	shalt  }
0x42: {  	_ =	shalt  }
0x43: {  	_ =	shalt  }
0x44: {  	_ =	shalt  }
0x45: {  	_ =	shalt  }
0x46: {  	_ =	shalt  }
0x47: {  	_ =	shalt  }
0x48: {  	_ =	shalt  }
0x49: {  	_ =	shalt  }
0x4a: {  	_ =	shalt  }
0x4b: {  	_ =	shalt  }
0x4c: {  	_ =	shalt  }
0x4d: {  	_ =	shalt  }
0x4e: {  	_ =	shalt  }
0x4f: {  	_ =	shalt  }
0x50: {  	_ =	shalt  }
0x51: {  	_ =	shalt  }
0x52: {  	_ =	shalt  }
0x53: {  	_ =	shalt  }
0x54: {  	_ =	shalt  }
0x55: {  	_ =	shalt  }
0x56: {  	_ =	shalt  }
0x57: {  	_ =	shalt  }
0x58: {  	_ =	shalt  }
0x59: {  	_ =	shalt  }
0x5a: {  	_ =	shalt  }
0x5b: {  	_ =	shalt  }
0x5c: {  	_ =	shalt  }
0x5d: {  	_ =	shalt  }
0x5e: {  	_ =	shalt  }
0x5f: {  	_ =	shalt  }
0x60: {  	_ =	shalt  }
0x61: {  	_ =	shalt  }
0x62: {  	_ =	shalt  }
0x63: {  	_ =	shalt  }
0x64: {  	_ =	shalt  }
0x65: {  	_ =	shalt  }
0x66: {  	_ =	shalt  }
0x67: {  	_ =	shalt  }
0x68: {  	_ =	shalt  }
0x69: {  	_ =	shalt  }
0x6a: {  	_ =	shalt  }
0x6b: {  	_ =	shalt  }
0x6c: {  	_ =	shalt  }
0x6d: {  	_ =	shalt  }
0x6e: {  	_ =	shalt  }
0x6f: {  	_ =	shalt  }
0x70: {  	_ =	shalt  }
0x71: {  	_ =	shalt  }
0x72: {  	_ =	shalt  }
0x73: {  	_ =	shalt  }
0x74: {  	_ =	shalt  }
0x75: {  	_ =	shalt  }
0x76: {  	_ =	shalt  }
0x77: {  	_ =	shalt  }
0x78: {  	_ =	shalt  }
0x79: {  	_ =	shalt  }
0x7a: {  	_ =	shalt  }
0x7b: {  	_ =	shalt  }
0x7c: {  	_ =	shalt  }
0x7d: {  	_ =	shalt  }
0x7e: {  	_ =	shalt  }
0x7f: {  	_ =	shalt  }
0x80: {  	_ =	shalt  }
0x81: {  	_ =	shalt  }
0x82: {  	_ =	shalt  }
0x83: {  	_ =	shalt  }
0x84: {  	_ =	shalt  }
0x85: {  	_ =	shalt  }
0x86: {  	_ =	shalt  }
0x87: {  	_ =	shalt  }
.Lfunc_end0:
.L_simem_size_0:
called_computation_lowered:
.L_overlay_start_0:
0x88: {  	s2 =	sld [smem:$0x3FD9]  }
0x89: {  	s3 =	sld [smem:$0x3FFE];
	_ =	sdelay $0x1  }
0x8a: {  	s1 =	srdreg.scid  }
0x8b: {  	s0 =	sand.u32 $0x1, s1  }
0x8c: {  	s14 =	sshll.u32 s0, $0xA;
	s2 =	sadd.s32 s3, s2  }
0x8d: {  	s2 =	sadd.s32 s2, s14  }
0x8e: {  	[smem:$0x3FC1] =	sst s2  }
0x8f: {  	_ = 	snop  }
0x90: {  	s2 =	sld [smem:$0x3FD0];
	_ =	sdelay $0x2  }
0x91: {  	s4 =	simm.s32 $0xA;
	s5 =	simm.s32 $0x10;
	s15 =	sld [smem:$0x3FC8]  }
0x92: {  	[smem:s5], [sflag:s4] =	dma.local [hbm:s2], $0x1  }
0x93: {  	_ =	swait.eq [sflag:s4], $0x1  }
0x94: {  	s16 =	sld [smem:$0x10];
	[sflag:s4] =	ssyncset.done $0x0  }
0x95: {  	s17 =	sld [smem:$0x11];
	[sflag:s4] =	ssyncadd.s32 $0xFFFFFFFF  }
0x96: {  	s18 =	sld [smem:$0x12];
	(tm) =	ssettm $0x1  }
0x97: {  	s6 =	sld [smem:$0x3FFB];
	_ =	sdelay $0x3  }
0x98: {  	_ =	strace s6  }
0x99: {  	s6 =	sld [smem:$0x3FFC];
	_ =	sdelay $0x3  }
0x9a: {  	_ =	strace s6  }
0x9b: {  	s6 =	sld [smem:$0x3FFD];
	_ =	sdelay $0x3  }
0x9c: {  	_ =	strace s6  }
0x9d: {  	_ =	strace $0x8FFFFFFF  }
0x9e: {  	s19 =	sld [smem:$0x3FDB];
	_ =	sdelay $0x1  }
0x9f: {  	s7 =	simm.s32 $_scs_section_size  }
0xa0: {  	s8 =	simm.s32 $_size__tile_overlayer_lowered;
	s9 =	simm.s32 $_tile_overlayer_lowered  }
0xa1: {  	s22 =	simm.s32 $0x1BFF;
	s21 =	sshll.u32 s9, $0x1;
	s6 =	sadd.s32 s7, s19  }
0xa2: {  	s10 =	simm.s32 $0x0;
	s20 =	sshll.u32 s8, $0x1;
	s8 =	sadd.s32 s21, s6  }
0xa3: {  	[timem:s10], [sflag:s22] =	dma.local [hbm:s8], s20  }
0xa4: {  	_ =	swait.ge [sflag:s22], s20  }
0xa5: {  	s7 =	ssub.s32 $0x0, s20;
	[sflag:s22] =	ssyncset.done $0x0  }
0xa6: {  	[sflag:s22] =	ssyncadd.s32 s7;
	_ =	sdelay $0x1  }
0xa7: {  	s23 =	simm.s32 $0x1B8B  }
0xa8: {  	_ =	swait.ge [sflag:s23], $0x1  }
0xa9: {  	[sflag:s23] =	ssyncset.done $0x0  }
0xaa: {  	s25 =	simm.s32 $0x1B8E;
	s24 =	sld [smem:$0x3FFE];
	[sflag:s23] =	ssyncadd.s32 $0xFFFFFFFF  }
0xab: {  	s26 =	simm.s32 $execute0_lowered;
	[smem:$0x3FD2] =	sst s25  }
0xac: {  	s8 =	sshll.u32 s26, $0x1;
	_ =	strace $0x80000046;
	[dreg:$0x1] =	wrdreg $0xFFFFFFFF  }
0xad: {  	s28 =	simm.s32 $_size_execute0_lowered;
	s6 =	sadd.s32 s6, s8;
	[dreg:$0x0] =	wrdreg $0x0  }
0xae: {  	s8 =	sshll.u32 s28, $0x1;
	[dreg:$0x2] =	wrdreg s6  }
0xaf: {  	[dreg:$0x3] =	wrdreg s8  }
0xb0: {  	[dreg:$0x4] =	wrdreg $0xC0  }
0xb1: {  	_ =	task [dreg:s10], $0x5FFFF  }
0xb2: {  	[dreg:$0x1] =	wrdreg $0xFFFFFFFF  }
0xb3: {  	[dreg:$0x0] =	wrdreg $0x60  }
0xb4: {  	[dreg:$0x2] =	wrdreg s24  }
0xb5: {  	[dreg:$0x3] =	wrdreg s15  }
0xb6: {  	[dreg:$0x4] =	wrdreg s18  }
0xb7: {  	[dreg:$0x5] =	wrdreg s16  }
0xb8: {  	[dreg:$0x6] =	wrdreg s17  }
0xb9: {  	[dreg:$0x7] =	wrdreg $0x9  }
0xba: {  	_ =	task.clear_ibuf [dreg:s10], $0x8FFFF;
	_ =	strace $0x90000046  }
0xbb: {  	s29 =	simm.s32 $0x9;
	_ =	strace $0x80000048  }
0xbc: {  	_ =	swait.ge [sflag:s29], $0x1  }
0xbd: {  	[sflag:s29] =	ssyncadd.s32 $0xFFFFFFFF  }
0xbe: {  	_ =	strace $0x90000048  }
0xbf: {  	_ =	sfence  }
0xc0: {  	s30 =	sld [smem:$0x0];
	_ =	sdelay $0x2  }
0xc1: {  	s31 =	sshll.u32 s1, $0xD;
	s1 =	sshrl.u32 s1, $0x2  }
0xc2: {  	s3 =	sand.u32 $0x4000, s31;
	s1 =	sadd.s32 s1, s30  }
0xc3: {  	s0 =	sor.u32 s3, s0;
	s1 =	sshll.u32 s1, $0x11  }
0xc4: {  	s0 =	sor.u32 s1, s0  }
0xc5: {  	s0 =	sadd.s32 $0x8F2B, s0  }
0xc6: {  	[sflag:s0] =	ssyncadd.remote.s32 $0x1  }
0xc7: {  	_ =	sfence.sel $0xFFFF  }
0xc8: {  	[dreg:$0x0] =	wrdreg $0xFFFFFFFF;
	(pc) =	sbr.abs _section_cstart, $3  }
0xc9: {  	[dreg:$0x1] =	wrdreg $0xFFFFFFFF  }
0xca: {  	_ =	task.clear_ibuf [dreg:s10], $0x2FFFF;
	_ =	strace $0x9FFFFFFF  }
0xcb: {  	(tm) =	ssettm $0x7FFFFFFF  }
tec
execute0_lowered:
.L_overlay_start_1:
0x0: {  	(tag) =	ssettag $0x1  }
0x1: {  	s3 =	rddreg [dreg:$0x0]  }
0x2: {  	s5 =	rddreg [dreg:$0x1]  }
0x3: {  	s7 =	rddreg [dreg:$0x2]  }
0x4: {  	s8 =	rddreg [dreg:$0x3]  }
0x5: {  	s9 =	rddreg [dreg:$0x4];
	s4 =	srdreg.scid  }
0x6: {  	s2 =	simm.s32 $0x0;
	s1 =	stileid.u32;
	s13 =	simm.s32 $0x1  }
0x7: {  	s14 =	simm.s32 $0x2;
	s15 =	simm.s32 $0x2480;
	s16 =	simm.s32 $0x4480  }
0x8: {  	s17 =	simm.s32 $0x4C80;
	s18 =	simm.s32 $0x0;
	s4 =	sand.u32 $0x1, s4  }
0x9: {  	[smem:$0x7FF] =	sst s2;
	s6 =	sshll.u32 s1, $0xB;
	s10 =	sshll.u32 s4, $0xA  }
0xa: {  	_ =	strace $0x80000047;
	s4 =	ssub.s32 $0x2, s4;
	s10 =	sor.u32 s10, s6  }
0xb: {  	s11 =	sshrl.u32 s4, $0x1;
	s6 =	sadd.s32 s10, s3;
	s3 =	sadd.s32 $0x9800, s3  }
0xc: {  	s11 =	ssub.s32 s4, s11;
	s12 =	sshrl.u32 s10, $0x3;
	s31 =	sshrl.u32 s10, $0x2  }
0xd: {  	s7 =	sadd.s32 s7, s10;
	s4 =	sadd.s32 $0x1800, s6;
	s5 =	sadd.s32 s5, s12  }
0xe: {  	s6 =	sadd.s32 $0x1A00, s6;
	s8 =	sadd.s32 s8, s31;
	s9 =	sadd.s32 s9, s31  }
0xf: {  	v0 =	vimm.s32 $0x0;
	s10 =	smax.u32 s11, $0x1;
	s11 =	simm.s32 $0x2400;
	s12 =	simm.s32 $0x1000  }
.LBB2_1:
0x10: {  	[tilespmem:s2], [sflag:$0x1] =	stream.linear.gather [hbm4b:s4+s2], $0x1000, $0x38;
	[tilespmem:$0x5480] =	vst v63  }
0x11: {  	s19 =	simm.s32 $0x2000  }
0x12: {  	[tilespmem:s19], [sflag:$0x1] =	stream.linear.gather [hbm4b:s5+s2], $0x400, $0x38;
	[tilespmem:$0x5480] =	vst v63  }
0x13: {  	_ = 	snop  }
0x14: {  	[tilespmem:s11], [sflag:$0x1] =	stream.linear.gather [hbm4b:s3+s2], $0x80, $0x38;
	[tilespmem:$0x5480] =	vst v63  }
0x15: {  	_ = 	snop  }
0x16: {  	[tilespmem:s12], [sflag:$0x2] =	stream.linear.gather [hbm4b:s6+s2], $0x1000, $0x38;
	[tilespmem:$0x5480] =	vst v63  }
0x17: {  	_ =	swait.ge [sflag:s13], $0x1000  }
0x18: {  	[sflag:s13] =	ssyncset.done $0x0  }
0x19: {  	[sflag:s13] =	ssyncadd.s32 $0xFFFFF000  }
0x1a: {  	_ =	swait.ge [sflag:s13], $0x400  }
0x1b: {  	[sflag:s13] =	ssyncset.done $0x0  }
0x1c: {  	[sflag:s13] =	ssyncadd.s32 $0xFFFFFC00  }
0x1d: {  	_ =	swait.ge [sflag:s13], $0x80  }
0x1e: {  	[sflag:s13] =	ssyncset.done $0x0  }
0x1f: {  	[sflag:s13] =	ssyncadd.s32 $0xFFFFFF80  }
0x20: {  	v15 =	vld [tilespmem:$0x2400];
	_ =	sdelay $0x4  }
0x21: {  	(v2sf) =	vpush v15, $0x0  }
0x22: {  	(v2sf) =	vpush v15, $0x1  }
0x23: {  	(v2sf) =	vpush v15, $0x2  }
0x24: {  	(v2sf) =	vpush v15, $0x3  }
0x25: {  	(v2sf) =	vpush v15, $0x4  }
0x26: {  	(v2sf) =	vpush v15, $0x5  }
0x27: {  	(v2sf) =	vpush v15, $0x6  }
0x28: {  	(v2sf) =	vpush v15, $0x7  }
0x29: {  	(v2sf) =	vpush v15, $0x8  }
0x2a: {  	(v2sf) =	vpush v15, $0x9  }
0x2b: {  	(v2sf) =	vpush v15, $0xA;
	_ =	sdelay $0x4  }
0x2c: {  	s21 =	spop (v2sf)  }
0x2d: {  	s22 =	spop (v2sf)  }
0x2e: {  	s20 =	spop (v2sf)  }
0x2f: {  	s23 =	spop (v2sf)  }
0x30: {  	(v2sf) =	vpush v15, $0xB;
	s25 =	spop (v2sf)  }
0x31: {  	(v2sf) =	vpush v15, $0xC;
	s26 =	spop (v2sf)  }
0x32: {  	(v2sf) =	vpush v15, $0xD;
	s28 =	spop (v2sf)  }
0x33: {  	s29 =	spop (v2sf)  }
0x34: {  	s24 =	spop (v2sf)  }
0x35: {  	v17 =	vld [tilespmem:s19+$0x0];
	(v2sf) =	vpush v15, $0xE;
	s30 =	spop (v2sf)  }
0x36: {  	s31 =	spop (v2sf)  }
0x37: {  	s0 =	simm.s32 $0x0;
	(v2sf) =	vpush v15, $0xF;
	s31 =	ssub.f32 s31, s20;
	s20 =	sand.u32 $0x70, s2  }
0x38: {  	s21 =	ssub.f32 s24, s21;
	s24 =	sor.u32 s20, s0  }
0x39: {  	s30 =	ssub.f32 s30, s22;
	v1 =	vmov s31;
	v7 =	vld [tilespmem:s24+$0x100]  }
0x3a: {  	v3 =	vbroadcast v15, $0x2;
	v2 =	vmov s21;
	v8 =	vld [tilespmem:s24+$0x0];
	v9 =	vmul.f32 v17, v1  }
0x3b: {  	v4 =	vbroadcast v15, $0x0;
	v5 =	vmov s30;
	v11 =	vmul.f32 v17, v2;
	v10 =	vld [tilespmem:s24+$0x80]  }
0x3c: {  	v6 =	vbroadcast v15, $0x1;
	v12 =	vmul.f32 v17, v5;
	v9 =	vadd.f32 v9, v3  }
0x3d: {  	v11 =	vadd.f32 v11, v4  }
0x3e: {  	v12 =	vadd.f32 v12, v6;
	v18 =	vadd.f32 v7, v9  }
0x3f: {  	s21 =	spop (v2sf);
	v19 =	vadd.f32 v11, v8  }
0x40: {  	s22 =	spop (v2sf);
	s0 =	ssub.f32 s21, s23;
	v21 =	vadd.f32 v10, v12;
	[tilespmem:s24+$0x2580] =	vst v18  }
0x41: {  	s30 =	spop (v2sf);
	s21 =	ssub.f32 s22, s25;
	s25 =	simm.s32 $0x0;
	[tilespmem:s24+$0x2480] =	vst v19  }
0x42: {  	s22 =	ssub.f32 s30, s26;
	s30 =	sor.u32 $0x180, s25;
	[tilespmem:s24+$0x2500] =	vst v21  }
0x43: {  	v13 =	vbroadcast v15, $0x6;
	v7 =	vmov s0;
	v8 =	vbroadcast v15, $0x3;
	v20 =	vld [tilespmem:s30+$0x0]  }
0x44: {  	s31 =	spop (v2sf);
	v9 =	vbroadcast v15, $0x4;
	v10 =	vmov s21;
	v22 =	vmul.f32 v17, v7  }
0x45: {  	v11 =	vbroadcast v15, $0x5;
	s23 =	ssub.f32 s31, s28;
	v12 =	vmov s22;
	v23 =	vmul.f32 v17, v10  }
0x46: {  	s31 =	spop (v2sf);
	vm0 =	vlt.f32 v21, $-Inf;
	vm1 =	vgt.f32 v21, $-Inf;
	v22 =	vadd.f32 v22, v8  }
0x47: {  	s0 =	ssub.f32 s31, s29;
	vm2 =	vgt.f32 v21, v19;
	v14 =	vmov s23;
	vm0 =	vmor vm1, vm0  }
0x48: {  	v26 =	vmul.f32 v17, v12;
	vm1 =	vmneg vm2;
	v20 =	vadd.f32 v20, v22  }
0x49: {  	v28 =	vsel vm2, $0x1, v0;
	v16 =	vmov s0;
	v22 =	vnsel vm0, $0xFF800000, v21  }
0x4a: {  	v24 =	vmul.f32 v17, v14;
	vm0 =	vmand vm1, vm0;
	v22 =	vsel vm1, v22, v19;
	[tilespmem:s30+$0x2480] =	vst v20  }
0x4b: {  	v19 =	vsel vm1, v19, v21;
	v25 =	vsel vm0, $0x1, v0;
	vm1 =	vgt.f32 v18, v22;
	v21 =	vld [tilespmem:s24+$0x200]  }
0x4c: {  	vm3 =	vgt.f32 v18, v19;
	v22 =	vsel vm1, v18, v22;
	v27 =	vld [tilespmem:s24+$0x300];
	v25 =	vsel vm1, $0x2, v25  }
0x4d: {  	v29 =	vsel vm3, v19, v22;
	v22 =	vsel vm3, v18, v19;
	v18 =	vsel vm3, v28, v25;
	v25 =	vld [tilespmem:s24+$0x280]  }
0x4e: {  	v15 =	vbroadcast v15, $0x7;
	v17 =	vmul.f32 v17, v16;
	v19 =	vadd.f32 v23, v9  }
0x4f: {  	v26 =	vadd.f32 v26, v11;
	v63 =	vadd.f32 v24, v13;
	vm1 =	vgt.f32 v20, v29  }
0x50: {  	vm0 =	vgt.f32 v20, v22;
	v23 =	vsel vm1, v20, v29;
	v24 =	vadd.f32 v21, v19  }
0x51: {  	s21 =	simm.s32 $0x0;
	s22 =	simm.s32 $0x1;
	s23 =	simm.s32 $0x0;
	v23 =	vsel vm0, v22, v23;
	v19 =	vadd.f32 v27, v63;
	v21 =	vsel vm3, $0x2, v28  }
.LBB2_2:
0x52: {  	p0 =	sne.s32 s22, $0x1F;
	[tilespmem:s24+$0x2680] =	vst v24;
	v25 =	vadd.f32 v25, v26;
	v17 =	vadd.f32 v17, v15;
	v26 =	vsel vm0, $0x3, v21;
	s23 =	sadd.s32 $0x10, s23;
	s19 =	sadd.s32 $0x10, s19  }
0x53: {  	v18 =	vsel vm1, $0x3, v18;
	v20 =	vsel vm0, v20, v22;
	vm1 =	vgt.f32 v24, v23;
	s26 =	smov.u32 s22;
	s22 =	sadd.s32 $0x1, s22;
	[tilespmem:s24+$0x2780] =	vst v19  }
0x54: {  	s0 =	sor.u32 $0x380, s25;
	v18 =	vsel vm0, v21, v18;
	vm0 =	vgt.f32 v24, v20;
	v21 =	vsel vm1, v24, v23;
	[tilespmem:s24+$0x2700] =	vst v25  }
0x55: {  	v21 =	vsel vm0, v20, v21;
	v18 =	vsel vm1, $0x4, v18;
	v20 =	vsel vm0, v24, v20;
	v22 =	vld [tilespmem:s0+$0x0]  }
0x56: {  	v18 =	vsel vm0, v26, v18;
	vm1 =	vgt.f32 v25, v20;
	vm2 =	vgt.f32 v25, v21  }
0x57: {  	v21 =	vsel vm2, v25, v21;
	v18 =	vsel vm2, $0x5, v18;
	v23 =	vsel vm1, v25, v20  }
0x58: {  	v24 =	vsel vm0, $0x4, v26;
	v20 =	vsel vm1, v20, v21;
	vm0 =	vgt.f32 v19, v23  }
0x59: {  	v18 =	vsel vm1, v24, v18;
	v21 =	vsel vm1, $0x5, v24;
	vm1 =	vgt.f32 v19, v20  }
0x5a: {  	v20 =	vsel vm1, v19, v20;
	v18 =	vsel vm1, $0x6, v18;
	v17 =	vadd.f32 v22, v17  }
0x5b: {  	v20 =	vsel vm0, v23, v20;
	v18 =	vsel vm0, v21, v18;
	v21 =	vsel vm0, $0x6, v21  }
0x5c: {  	v19 =	vsel vm0, v19, v23;
	[tilespmem:s0+$0x2480] =	vst v17;
	vm0 =	vgt.f32 v17, v20  }
0x5d: {  	vm1 =	vgt.f32 v17, v19;
	v20 =	vsel vm0, v17, v20;
	v18 =	vsel vm0, $0x7, v18  }
0x5e: {  	s0 =	sor.u32 s20, s21;
	v17 =	vsel vm1, v17, v19;
	v20 =	vsel vm1, v19, v20;
	v18 =	vsel vm1, v21, v18  }
0x5f: {  	v19 =	vsel vm1, $0x7, v21;
	v17 =	vsub.f32 v20, v17;
	[tilespmem:s0+$0x4500] =	vst v18  }
0x60: {  	[tilespmem:s0+$0x4480] =	vst v19  }
0x61: {  	v17 =	vmul.f32 $1.442695020e+00, v17;
	_ =	sdelay $0x1  }
0x62: {  	(erf) = vpow2.f32 v17;
	_ =	sdelay $0x8  }
0x63: {  	v17 =	vpop (erf)  }
0x64: {  	v18 =	vadd.f32 $1.000000000e+00, v17;
	_ =	sdelay $0x1  }
0x65: {  	(erf) = vrcp.f32 v18;
	_ =	sdelay $0x8  }
0x66: {  	v18 =	vpop (erf)  }
0x67: {  	[tilespmem:s0+$0x4C80] =	vst v18;
	v17 =	vmul.f32 v18, v17;
	_ =	sdelay $0x1  }
0x68: {  	[tilespmem:s0+$0x4D00] =	vst v17  }
0x69: {  	s0 =	sshrl.u32 s26, $0x3;
	v17 =	vld [tilespmem:s19+$0x0]  }
0x6a: {  	s20 =	sand.u32 $0x70, s23;
	s24 =	sshll.u32 s0, $0xA;
	s21 =	sshll.u32 s0, $0x8  }
0x6b: {  	s25 =	sadd.s32 s24, s23;
	s24 =	sor.u32 s20, s24  }
0x6c: {  	v18 =	vld [tilespmem:s24+$0x100]  }
0x6d: {  	v19 =	vld [tilespmem:s24+$0x80]  }
0x6e: {  	v20 =	vld [tilespmem:s24+$0x0];
	v21 =	vmul.f32 v17, v5;
	v22 =	vmul.f32 v17, v1  }
0x6f: {  	v23 =	vmul.f32 v17, v2;
	v24 =	vmul.f32 v17, v7  }
0x70: {  	v26 =	vmul.f32 v17, v10;
	v21 =	vadd.f32 v21, v6;
	v22 =	vadd.f32 v22, v3  }
0x71: {  	v27 =	vmul.f32 v17, v12;
	v28 =	vmul.f32 v17, v14;
	v23 =	vadd.f32 v23, v4  }
0x72: {  	v17 =	vmul.f32 v17, v16;
	v19 =	vadd.f32 v19, v21;
	v21 =	vadd.f32 v18, v22  }
0x73: {  	v18 =	vadd.f32 v23, v20  }
0x74: {  	[tilespmem:s24+$0x2580] =	vst v21;
	vm0 =	vlt.f32 v19, $-Inf;
	vm1 =	vgt.f32 v19, $-Inf  }
0x75: {  	[tilespmem:s24+$0x2480] =	vst v18;
	vm2 =	vgt.f32 v19, v18;
	vm0 =	vmor vm1, vm0  }
0x76: {  	s0 =	sor.u32 $0x180, s25;
	[tilespmem:s24+$0x2500] =	vst v19;
	vm1 =	vmneg vm2;
	v20 =	vnsel vm0, $0xFF800000, v19;
	v29 =	vsel vm2, $0x1, v0  }
0x77: {  	v22 =	vld [tilespmem:s0+$0x0];
	v20 =	vsel vm1, v20, v18;
	vm0 =	vmand vm1, vm0;
	v19 =	vsel vm1, v18, v19  }
0x78: {  	v18 =	vsel vm0, $0x1, v0;
	vm2 =	vgt.f32 v21, v19;
	vm0 =	vgt.f32 v21, v20  }
0x79: {  	v20 =	vsel vm0, v21, v20;
	v18 =	vsel vm0, $0x2, v18  }
0x7a: {  	v23 =	vadd.f32 v24, v8;
	v24 =	vsel vm2, v19, v20;
	v18 =	vsel vm2, v29, v18;
	_ =	sdelay $0x1  }
0x7b: {  	v20 =	vadd.f32 v22, v23;
	_ =	sdelay $0x1  }
0x7c: {  	v22 =	vsel vm2, v21, v19;
	[tilespmem:s0+$0x2480] =	vst v20;
	vm1 =	vgt.f32 v20, v24  }
0x7d: {  	vm0 =	vgt.f32 v20, v22;
	v19 =	vld [tilespmem:s24+$0x200];
	v21 =	vsel vm1, v20, v24  }
0x7e: {  	v30 =	vld [tilespmem:s24+$0x300];
	v23 =	vsel vm0, v22, v21  }
.Ltmp0:
0x7f: {  	v25 =	vld [tilespmem:s24+$0x280];
	(pc) =	sbr.rel @p0 .LBB2_2-.Ltmp0, $4  }
0x80: {  	v21 =	vadd.f32 v26, v9  }
0x81: {  	v28 =	vadd.f32 v28, v13  }
0x82: {  	v26 =	vadd.f32 v27, v11;
	v24 =	vadd.f32 v19, v21  }
0x83: {  	v21 =	vsel vm2, $0x2, v29;
	v19 =	vadd.f32 v30, v28  }
0x84: {  	[tilespmem:s24+$0x2680] =	vst v24;
	v25 =	vadd.f32 v25, v26  }
0x85: {  	v20 =	vsel vm0, v20, v22;
	vm2 =	vgt.f32 v24, v23;
	[tilespmem:s24+$0x2780] =	vst v19  }
0x86: {  	s0 =	sor.u32 $0x380, s25;
	vm3 =	vgt.f32 v24, v20;
	v38 =	vsel vm2, v24, v23;
	[tilespmem:s24+$0x2700] =	vst v25  }
0x87: {  	v22 =	vsel vm3, v20, v38;
	v39 =	vld [tilespmem:s0+$0x0]  }
0x88: {  	v20 =	vsel vm3, v24, v20;
	vm4 =	vgt.f32 v25, v22  }
0x89: {  	vm5 =	vgt.f32 v25, v20;
	v22 =	vsel vm4, v25, v22  }
0x8a: {  	v17 =	vadd.f32 v17, v15;
	v22 =	vsel vm5, v20, v22  }
0x8b: {  	v20 =	vsel vm5, v25, v20;
	vm6 =	vgt.f32 v19, v22  }
0x8c: {  	vm7 =	vgt.f32 v19, v20;
	v22 =	vsel vm6, v19, v22;
	v17 =	vadd.f32 v39, v17  }
0x8d: {  	v22 =	vsel vm7, v20, v22  }
0x8e: {  	v19 =	vsel vm7, v19, v20;
	vm8 =	vgt.f32 v17, v22  }
0x8f: {  	vm9 =	vgt.f32 v17, v19;
	v40 =	vsel vm8, v17, v22  }
0x90: {  	v20 =	vsel vm9, v19, v40;
	v19 =	vsel vm9, v17, v19  }
0x91: {  	v19 =	vsub.f32 v20, v19;
	_ =	sdelay $0x1  }
0x92: {  	v19 =	vmul.f32 $1.442695020e+00, v19;
	_ =	sdelay $0x1  }
0x93: {  	(erf) = vpow2.f32 v19;
	_ =	sdelay $0x8  }
0x94: {  	v18 =	vsel vm1, $0x3, v18;
	v19 =	vpop (erf)  }
0x95: {  	v18 =	vsel vm0, v21, v18;
	v41 =	vadd.f32 $1.000000000e+00, v19  }
0x96: {  	v42 =	vsel vm0, $0x3, v21;
	v18 =	vsel vm2, $0x4, v18  }
0x97: {  	v18 =	vsel vm3, v42, v18;
	(erf) = vrcp.f32 v41  }
0x98: {  	v18 =	vsel vm4, $0x5, v18;
	v20 =	vsel vm3, $0x4, v42  }
0x99: {  	v18 =	vsel vm5, v20, v18  }
0x9a: {  	v20 =	vsel vm5, $0x5, v20;
	v18 =	vsel vm6, $0x6, v18  }
0x9b: {  	v18 =	vsel vm7, v20, v18  }
0x9c: {  	v20 =	vsel vm7, $0x6, v20;
	v18 =	vsel vm8, $0x7, v18  }
0x9d: {  	[tilespmem:s0+$0x2480] =	vst v17;
	v17 =	vsel vm9, v20, v18;
	_ =	sdelay $0x1  }
0x9e: {  	s28 =	sor.u32 s20, s21  }
0x9f: {  	v18 =	vsel vm9, $0x7, v20;
	[tilespmem:s28+$0x4500] =	vst v17;
	v17 =	vpop (erf)  }
0xa0: {  	[tilespmem:s28+$0x4480] =	vst v18;
	v18 =	vmul.f32 v17, v19  }
0xa1: {  	[tilespmem:s28+$0x4C80] =	vst v17  }
0xa2: {  	[tilespmem:s28+$0x4D00] =	vst v18  }
0xa3: {  	_ =	swait.ge [sflag:s14], $0x1000  }
0xa4: {  	[sflag:s14] =	ssyncset.done $0x0  }
0xa5: {  	s19 =	simm.s32 $0x2200;
	[sflag:s14] =	ssyncadd.s32 $0xFFFFF000  }
0xa6: {  	v17 =	vld [tilespmem:s19+$0x0]  }
0xa7: {  	s20 =	simm.s32 $0x200  }
0xa8: {  	s30 =	simm.s32 $0x1000;
	s29 =	sand.u32 $0x70, s20  }
0xa9: {  	s22 =	sor.u32 s29, s30  }
0xaa: {  	v18 =	vld [tilespmem:s22+$0x80]  }
0xab: {  	v19 =	vld [tilespmem:s22+$0x0];
	v43 =	vmul.f32 v17, v5  }
0xac: {  	v44 =	vmul.f32 v17, v2  }
0xad: {  	v20 =	vadd.f32 v43, v6  }
0xae: {  	v45 =	vld [tilespmem:s22+$0x100];
	v46 =	vmul.f32 v17, v7;
	v47 =	vmul.f32 v17, v1;
	v21 =	vadd.f32 v44, v4  }
0xaf: {  	v48 =	vmul.f32 v17, v10;
	v50 =	vmul.f32 v17, v14;
	v18 =	vadd.f32 v18, v20  }
0xb0: {  	v49 =	vld [tilespmem:s22+$0x180];
	v28 =	vmul.f32 v17, v12;
	v23 =	vadd.f32 v46, v8;
	v19 =	vadd.f32 v21, v19  }
0xb1: {  	v51 =	vld [tilespmem:s22+$0x300];
	v24 =	vadd.f32 v47, v3;
	vm7 =	vlt.f32 v18, $-Inf;
	vm8 =	vgt.f32 v18, $-Inf  }
0xb2: {  	v29 =	vld [tilespmem:s22+$0x280];
	v25 =	vadd.f32 v50, v13;
	vm0 =	vgt.f32 v18, v19;
	vm9 =	vmor vm8, vm7  }
0xb3: {  	v27 =	vld [tilespmem:s22+$0x200];
	v22 =	vadd.f32 v45, v24;
	vm10 =	vmneg vm0;
	v52 =	vnsel vm9, $0xFF800000, v18  }
0xb4: {  	v53 =	vadd.f32 v28, v11;
	v20 =	vadd.f32 v48, v9;
	[tilespmem:s22+$0x2500] =	vst v18;
	v24 =	vsel vm10, v52, v19  }
0xb5: {  	v21 =	vadd.f32 v49, v23;
	[tilespmem:s22+$0x2480] =	vst v19;
	v18 =	vsel vm10, v19, v18;
	vm11 =	vgt.f32 v22, v24  }
0xb6: {  	v54 =	vadd.f32 v51, v25;
	[tilespmem:s22+$0x2580] =	vst v22;
	vm12 =	vgt.f32 v22, v18;
	v19 =	vsel vm11, v22, v24  }
0xb7: {  	v55 =	vadd.f32 v29, v53;
	[tilespmem:s22+$0x2600] =	vst v21;
	v19 =	vsel vm12, v18, v19  }
0xb8: {  	v20 =	vadd.f32 v27, v20;
	[tilespmem:s22+$0x2780] =	vst v54;
	v18 =	vsel vm12, v22, v18;
	vm13 =	vgt.f32 v21, v19  }
0xb9: {  	s0 =	sor.u32 s30, s20;
	v17 =	vmul.f32 v17, v16;
	[tilespmem:s22+$0x2700] =	vst v55;
	vm14 =	vgt.f32 v21, v18;
	v19 =	vsel vm13, v21, v19  }
0xba: {  	s0 =	sor.u32 $0x380, s0;
	[tilespmem:s22+$0x2680] =	vst v20;
	v19 =	vsel vm14, v18, v19  }
0xbb: {  	v17 =	vadd.f32 v17, v15;
	v57 =	vld [tilespmem:s0+$0x0];
	v18 =	vsel vm14, v21, v18;
	vm15 =	vgt.f32 v20, v19  }
0xbc: {  	vm3 =	vmand vm10, vm9;
	vm9 =	vgt.f32 v20, v18;
	v19 =	vsel vm15, v20, v19  }
0xbd: {  	v56 =	vsel vm3, $0x1, v0;
	v20 =	vsel vm9, v20, v18;
	v18 =	vsel vm9, v18, v19  }
0xbe: {  	v58 =	vsel vm0, $0x1, v0;
	v21 =	vsel vm11, $0x2, v56;
	vm11 =	vgt.f32 v55, v18  }
0xbf: {  	v21 =	vsel vm12, v58, v21;
	vm10 =	vgt.f32 v55, v20;
	v18 =	vsel vm11, v55, v18  }
0xc0: {  	v17 =	vadd.f32 v57, v17;
	v60 =	vsel vm13, $0x3, v21;
	v18 =	vsel vm10, v20, v18  }
0xc1: {  	v19 =	vsel vm12, $0x2, v58;
	v22 =	vsel vm10, v55, v20;
	vm12 =	vgt.f32 v54, v18  }
0xc2: {  	v59 =	vsel vm14, $0x3, v19;
	vm13 =	vgt.f32 v54, v22;
	v18 =	vsel vm12, v54, v18  }
0xc3: {  	v19 =	vsel vm14, v19, v60;
	v61 =	vsel vm9, $0x4, v59;
	v18 =	vsel vm13, v22, v18  }
0xc4: {  	v19 =	vsel vm15, $0x4, v19;
	v62 =	vsel vm13, v54, v22;
	vm14 =	vgt.f32 v17, v18  }
0xc5: {  	v19 =	vsel vm9, v59, v19;
	vm15 =	vgt.f32 v17, v62;
	v18 =	vsel vm14, v17, v18  }
0xc6: {  	v19 =	vsel vm11, $0x5, v19;
	v22 =	vsel vm15, v17, v62;
	v18 =	vsel vm15, v62, v18  }
0xc7: {  	v19 =	vsel vm10, v61, v19;
	v18 =	vsub.f32 v18, v22  }
0xc8: {  	v20 =	vsel vm10, $0x5, v61;
	v19 =	vsel vm12, $0x6, v19  }
0xc9: {  	s31 =	simm.s32 $0x400;
	v63 =	vsel vm13, $0x6, v20;
	v19 =	vsel vm13, v20, v19;
	v18 =	vmul.f32 $1.442695020e+00, v18  }
0xca: {  	s26 =	sor.u32 s29, s31;
	[tilespmem:s0+$0x2480] =	vst v17;
	v17 =	vsel vm15, $0x7, v63;
	v19 =	vsel vm14, $0x7, v19  }
0xcb: {  	[tilespmem:s26+$0x4480] =	vst v17;
	v17 =	vsel vm15, v63, v19;
	(erf) = vpow2.f32 v18  }
0xcc: {  	s21 =	simm.s32 $0x21;
	[tilespmem:s26+$0x4500] =	vst v17  }
.LBB2_4:
0xcd: {  	_ =	sdelay $0x5  }
0xce: {  	p0 =	sne.s32 s21, $0x3F;
	s20 =	sadd.s32 $0x10, s20;
	s19 =	sadd.s32 $0x10, s19  }
0xcf: {  	s0 =	smov.u32 s21;
	s21 =	sadd.s32 $0x1, s21;
	v17 =	vpop (erf)  }
0xd0: {  	s0 =	sshrl.u32 s0, $0x3;
	v18 =	vadd.f32 $1.000000000e+00, v17  }
0xd1: {  	s22 =	sand.u32 $0x70, s20;
	s25 =	sshll.u32 s0, $0xA;
	s23 =	sshll.u32 s0, $0x8  }
0xd2: {  	s24 =	sor.u32 s22, s25;
	s25 =	sor.u32 s25, s20;
	(erf) = vrcp.f32 v18;
	_ =	sdelay $0x8  }
0xd3: {  	v18 =	vpop (erf)  }
0xd4: {  	[tilespmem:s26+$0x4C80] =	vst v18;
	v17 =	vmul.f32 v18, v17;
	_ =	sdelay $0x1  }
0xd5: {  	[tilespmem:s26+$0x4D00] =	vst v17  }
0xd6: {  	v17 =	vld [tilespmem:s19+$0x0]  }
0xd7: {  	v18 =	vld [tilespmem:s24+$0x80]  }
0xd8: {  	v19 =	vld [tilespmem:s24+$0x0];
	_ =	sdelay $0x2  }
0xd9: {  	v20 =	vmul.f32 v17, v2;
	v21 =	vmul.f32 v17, v5;
	v22 =	vld [tilespmem:s24+$0x100]  }
0xda: {  	v23 =	vmul.f32 v17, v1;
	v24 =	vmul.f32 v17, v7  }
0xdb: {  	v25 =	vmul.f32 v17, v10;
	v20 =	vadd.f32 v20, v4;
	v21 =	vadd.f32 v21, v6  }
0xdc: {  	v27 =	vmul.f32 v17, v12;
	v28 =	vmul.f32 v17, v14;
	v24 =	vadd.f32 v24, v8;
	v26 =	vld [tilespmem:s24+$0x180]  }
0xdd: {  	v17 =	vmul.f32 v17, v16;
	v19 =	vadd.f32 v20, v19;
	v18 =	vadd.f32 v18, v21  }
0xde: {  	v20 =	vadd.f32 v23, v3;
	v21 =	vadd.f32 v25, v9;
	v23 =	vld [tilespmem:s24+$0x300]  }
0xdf: {  	v25 =	vld [tilespmem:s24+$0x200];
	vm0 =	vgt.f32 v18, v19;
	vm1 =	vlt.f32 v18, $-Inf;
	vm2 =	vgt.f32 v18, $-Inf  }
0xe0: {  	v20 =	vadd.f32 v22, v20;
	v22 =	vld [tilespmem:s24+$0x280];
	vm3 =	vmneg vm0;
	vm2 =	vmor vm2, vm1  }
0xe1: {  	v24 =	vadd.f32 v26, v24;
	v26 =	vnsel vm2, $0xFF800000, v18;
	v29 =	vsel vm3, v19, v18  }
0xe2: {  	[tilespmem:s24+$0x2500] =	vst v18;
	v18 =	vadd.f32 v28, v13;
	v26 =	vsel vm3, v26, v19;
	vm1 =	vgt.f32 v20, v29  }
0xe3: {  	vm3 =	vmand vm3, vm2;
	[tilespmem:s24+$0x2480] =	vst v19;
	vm5 =	vgt.f32 v20, v26;
	v19 =	vsel vm1, v20, v29  }
0xe4: {  	s0 =	sor.u32 $0x380, s25;
	v27 =	vadd.f32 v27, v11;
	[tilespmem:s24+$0x2580] =	vst v20;
	v18 =	vadd.f32 v23, v18;
	v20 =	vsel vm5, v20, v26  }
0xe5: {  	v21 =	vadd.f32 v25, v21;
	vm2 =	vgt.f32 v24, v19;
	[tilespmem:s24+$0x2600] =	vst v24;
	v20 =	vsel vm1, v29, v20  }
0xe6: {  	v22 =	vadd.f32 v22, v27;
	v23 =	vsel vm2, v24, v19;
	[tilespmem:s24+$0x2780] =	vst v18;
	vm4 =	vgt.f32 v24, v20  }
0xe7: {  	v25 =	vsel vm3, $0x1, v0;
	[tilespmem:s24+$0x2680] =	vst v21;
	v20 =	vsel vm4, v24, v20  }
0xe8: {  	vm3 =	vgt.f32 v21, v23;
	v24 =	vsel vm5, $0x2, v25;
	[tilespmem:s24+$0x2700] =	vst v22;
	v19 =	vsel vm2, v19, v20  }
0xe9: {  	v25 =	vsel vm0, $0x1, v0;
	v26 =	vsel vm3, v21, v23;
	v20 =	vld [tilespmem:s0+$0x0];
	vm5 =	vgt.f32 v21, v19  }
0xea: {  	v27 =	vsel vm1, $0x2, v25;
	vm0 =	vgt.f32 v22, v26;
	v19 =	vsel vm5, v21, v19  }
0xeb: {  	v21 =	vsel vm2, $0x3, v27;
	v19 =	vsel vm3, v23, v19;
	v23 =	vsel vm0, v22, v26  }
0xec: {  	v17 =	vadd.f32 v17, v15;
	v28 =	vsel vm3, $0x4, v21;
	vm6 =	vgt.f32 v22, v19  }
0xed: {  	v24 =	vsel vm1, v25, v24;
	v19 =	vsel vm6, v22, v19;
	v22 =	vsel vm0, $0x5, v28  }
0xee: {  	vm1 =	vgt.f32 v18, v23;
	v17 =	vadd.f32 v20, v17;
	v19 =	vsel vm0, v26, v19  }
0xef: {  	v20 =	vsel vm4, $0x3, v24;
	v24 =	vsel vm1, $0x6, v22;
	vm4 =	vgt.f32 v18, v19  }
0xf0: {  	v20 =	vsel vm2, v27, v20;
	[tilespmem:s0+$0x2480] =	vst v17;
	v19 =	vsel vm4, v18, v19;
	v18 =	vsel vm1, v18, v23  }
0xf1: {  	v20 =	vsel vm5, $0x4, v20;
	v19 =	vsel vm1, v23, v19;
	vm2 =	vgt.f32 v17, v18  }
0xf2: {  	s26 =	sor.u32 s22, s23;
	vm5 =	vgt.f32 v17, v19;
	v23 =	vsel vm2, v17, v18;
	v25 =	vsel vm2, $0x7, v24  }
0xf3: {  	v20 =	vsel vm3, v21, v20;
	v17 =	vsel vm5, v17, v19;
	[tilespmem:s26+$0x4480] =	vst v25  }
0xf4: {  	v19 =	vsel vm6, $0x5, v20;
	v17 =	vsel vm2, v18, v17  }
0xf5: {  	v18 =	vsel vm0, v28, v19;
	v17 =	vsub.f32 v17, v23  }
.Ltmp1:
0xf6: {  	v18 =	vsel vm4, $0x6, v18;
	(pc) =	sbr.rel @p0 .LBB2_4-.Ltmp1, $4  }
0xf7: {  	v18 =	vsel vm1, v22, v18;
	v17 =	vmul.f32 $1.442695020e+00, v17  }
0xf8: {  	v18 =	vsel vm5, $0x7, v18  }
0xf9: {  	v18 =	vsel vm2, v24, v18;
	(erf) = vpow2.f32 v17  }
0xfa: {  	[tilespmem:s26+$0x4500] =	vst v18  }
0xfb: {  	_ =	sdelay $0x6  }
0xfc: {  	v1 =	vpop (erf)  }
0xfd: {  	v2 =	vadd.f32 $1.000000000e+00, v1;
	_ =	sdelay $0x1  }
0xfe: {  	(erf) = vrcp.f32 v2;
	_ =	sdelay $0x8  }
0xff: {  	v2 =	vpop (erf)  }
0x100: {  	v1 =	vmul.f32 v2, v1  }
0x101: {  	[tilespmem:s26+$0x4C80] =	vst v2  }
0x102: {  	[tilespmem:s26+$0x4D00] =	vst v1  }
0x103: {  	[hbm4b:s7+s2] =	stream.linear.scatter [tilespmem:s15], [sflag:$0x1], $0x2000, $0x38;
	[tilespmem:$0x5480] =	vst v63  }
0x104: {  	_ = 	snop  }
0x105: {  	[hbm4b:s8+s2] =	stream.linear.scatter [tilespmem:s16], [sflag:$0x1], $0x800, $0x38;
	[tilespmem:$0x5480] =	vst v63  }
0x106: {  	_ = 	snop  }
0x107: {  	[hbm4b:s9+s2] =	stream.linear.scatter [tilespmem:s17], [sflag:$0x1], $0x800, $0x38;
	[tilespmem:$0x5480] =	vst v63  }
0x108: {  	_ =	swait.ge [sflag:s13], $0x2000  }
0x109: {  	[sflag:s13] =	ssyncset.done $0x0  }
0x10a: {  	s18 =	sadd.s32 $0x1, s18;
	[sflag:s13] =	ssyncadd.s32 $0xFFFFE000  }
0x10b: {  	p0 =	sne.s32 s18, s10;
	_ =	swait.ge [sflag:s13], $0x800  }
.Ltmp2:
0x10c: {  	[sflag:s13] =	ssyncset.done $0x0;
	(pc) =	sbr.rel @p0 .LBB2_1-.Ltmp2, $4  }
0x10d: {  	[sflag:s13] =	ssyncadd.s32 $0xFFFFF800  }
0x10e: {  	_ =	swait.ge [sflag:s13], $0x800  }
0x10f: {  	[sflag:s13] =	ssyncset.done $0x0  }
0x110: {  	[sflag:s13] =	ssyncadd.s32 $0xFFFFF800  }
0x111: {  	_ =	sfence.sel $0x180000  }
0x112: {  	[bflag:$0x0] =	sbarrier.arrive $0xFFFF  }
0x113: {  	_ =	strace $0x90000047  }
0x114: {  	[bflag:$0x2] =	sbarrier.arrive $0xFFFF  }
0x115: {  	p0 =	sne.s32 s1, $0x0;
	s0 =	rddreg [dreg:$0x5]  }
0x116: {  	s0 =	sadd.s32 @!p0 $0x100000, s0  }
0x117: {  	[sflag:s0] =	ssyncadd.tile.s32 @!p0 $0x1;
	_ =	shalt  }
.Lfunc_end2:
_tile_overlayer_lowered:
.L_overlay_start_2:
0x118: {  	(tag) =	ssettag $0x2  }
0x119: {  	s0 =	rddreg [dreg:$0x0];
	s2 =	stileid.u32  }
0x11a: {  	s1 =	rddreg [dreg:$0x1];
	p0 =	sne.s32 s2, $0x0  }
0x11b: {  	s3 =	rddreg [dreg:$0x2];
	[bflag:$0x3] =	sbarrier.arrive $0xFFFF;
	s2 =	simm.s32 @!p0 $0x1C03  }
0x11c: {  	[timem:s3], [sflag:s2] =	dma.local @!p0 [hbm:s0], s1  }
0x11d: {  	s0 =	simm.s32 @!p0 $0x3  }
0x11e: {  	_ =	swait.ge @!p0 [sflag:s0], s1  }
0x11f: {  	s1 =	ssub.s32 @!p0 $0x0, s1;
	[sflag:s0] =	ssyncset.done @!p0 $0x0  }
0x120: {  	[sflag:s0] =	ssyncadd.s32 @!p0 s1  }
0x121: {  	[bflag:$0x3] =	sbarrier.arrive $0xFFFF  }
0x122: {  	_ =	shalt  }

</sc_bundles>
